<compile_context>
chip_gen: v7x
topology: tpu7x:2x2x1
jax: 0.10.2.dev20260603
libtpu: 0.0.44.dev20260713+nightly
codegen_flags: <defaults>
</compile_context>

<pallas_src>
import functools

import jax
import jax.numpy as jnp
from jax import lax
from jax.experimental import pallas as pl
from jax.experimental.pallas import tpu as pltpu
from jax.experimental.pallas import tpu_sc as plsc

N = 10000
NP = 10240
D = 256
H = 4
DH = D // H
E = 160000
CH = 128
NTILES = 16
NCHUNK = E // CH
ROWS_PER_TILE = NP // NTILES




GW = 128


def _sc_body(term_lo, term_hi, ed_hbm, sums_out, cnt_out,
             idx_v0, idx_v1, rows_v0, rows_v1,
             ones_v, zbuf_v, zcnt_v, sums_sh, cnt_sh, sem0, sem1):
    c = lax.axis_index("c")
    t = lax.axis_index("s")

    z32 = jnp.zeros((32,), jnp.bfloat16)
    z16 = jnp.zeros((16,), jnp.float32)
    one16 = jnp.where(lax.iota(jnp.int32, 16) == 0,
                      jnp.float32(1.0), jnp.float32(0.0))

    def _init_rows(i, _):
        for j in range(GW // 32):
            zbuf_v[i, pl.ds(j * 32, 32)] = z32
        zcnt_v[i, :] = z16
        ones_v[i, :] = one16
        return 0

    lax.fori_loop(0, CH, _init_rows, 0)

    def _zero_sh(i, _):
        r0 = t * ROWS_PER_TILE + i * CH
        pltpu.sync_copy(zbuf_v, sums_sh.at[pl.ds(r0, CH)])
        pltpu.sync_copy(zcnt_v, cnt_sh.at[pl.ds(r0, CH)])
        return 0

    lax.fori_loop(0, ROWS_PER_TILE // CH, _zero_sh, 0)
    plsc.subcore_barrier()

    nch = jnp.where(t < NCHUNK - (NCHUNK // NTILES) * NTILES,
                    NCHUNK // NTILES + 1, NCHUNK // NTILES)
    do_cnt = (t % 2) == c

    idx_b = (idx_v0, idx_v1)
    rows_b = (rows_v0, rows_v1)
    sem_b = (sem0, sem1)

    def _load_idx(s, a):
        pltpu.sync_copy(ed_hbm.at[t + s * NTILES], idx_b[a])

    def _gather(a):
        @pl.when(c == 0)
        def _():
            pltpu.async_copy(term_lo.at[idx_b[a].at[0]], rows_b[a], sem_b[a])

        @pl.when(c == 1)
        def _():
            pltpu.async_copy(term_hi.at[idx_b[a].at[0]], rows_b[a], sem_b[a])

    def _wait_gather(a):
        @pl.when(c == 0)
        def _():
            pltpu.make_async_copy(term_lo.at[idx_b[a].at[0]], rows_b[a],
                                  sem_b[a]).wait()

        @pl.when(c == 1)
        def _():
            pltpu.make_async_copy(term_hi.at[idx_b[a].at[0]], rows_b[a],
                                  sem_b[a]).wait()

    @pl.when(0 < nch)
    def _():
        _load_idx(0, 0)
        _gather(0)

    def _pair(gg, _):
        for a in range(2):
            s = gg * 2 + a

            @pl.when(s + 1 < nch)
            def _():
                _load_idx(s + 1, 1 - a)
                _gather(1 - a)

            @pl.when(s < nch)
            def _():
                @pl.when(do_cnt)
                def _():
                    pltpu.sync_copy(ones_v, cnt_sh.at[idx_b[a].at[1]],
                                    add=True)

                _wait_gather(a)
                pltpu.sync_copy(rows_b[a], sums_sh.at[idx_b[a].at[1]],
                                add=True)

        return 0

    lax.fori_loop(0, (NCHUNK // NTILES + 2) // 2, _pair, 0)
    plsc.subcore_barrier()

    r0 = t * ROWS_PER_TILE
    pltpu.sync_copy(sums_sh.at[pl.ds(r0, ROWS_PER_TILE)],
                    sums_out.at[c, pl.ds(r0, ROWS_PER_TILE)])
    pltpu.sync_copy(cnt_sh.at[pl.ds(r0, ROWS_PER_TILE)],
                    cnt_out.at[c, pl.ds(r0, ROWS_PER_TILE)])


def _sc_segment(term_lo, term_hi, ed):
    mesh = plsc.VectorSubcoreMesh(core_axis_name="c", subcore_axis_name="s")
    fn = pl.kernel(
        _sc_body,
        out_type=[
            jax.ShapeDtypeStruct((2, NP, GW), jnp.bfloat16),
            jax.ShapeDtypeStruct((2, NP, 16), jnp.float32),
        ],
        mesh=mesh,
        scratch_types=[
            pltpu.VMEM((2, CH), jnp.int32),
            pltpu.VMEM((2, CH), jnp.int32),
            pltpu.VMEM((CH, GW), jnp.bfloat16),
            pltpu.VMEM((CH, GW), jnp.bfloat16),
            pltpu.VMEM((CH, 16), jnp.float32),
            pltpu.VMEM((CH, GW), jnp.bfloat16),
            pltpu.VMEM((CH, 16), jnp.float32),
            pltpu.VMEM_SHARED((NP, GW), jnp.bfloat16),
            pltpu.VMEM_SHARED((NP, 16), jnp.float32),
            pltpu.SemaphoreType.DMA,
            pltpu.SemaphoreType.DMA,
        ],
        compiler_params=pltpu.CompilerParams(use_tc_tiling_on_sc=False),
    )
    return fn(term_lo, term_hi, ed)



BR1 = 1024


def _fuse1_body(litx_ref, raw_ref, sums_ref, cnt_ref, polt_ref, cW_ref,
                cb_ref, Wl_ref, bl_ref, Wr_ref, br_ref, Wq_ref, bq_ref,
                g_ref, b_ref, lit_out_ref, q_ref, k_ref, v_ref):
    lx = litx_ref[...]
    m = jnp.clip(1.0 - raw_ref[:, 0:1], 0.0, 1.0)
    W1 = cW_ref[:D, :]
    W2 = cW_ref[D:, :]
    pr = jnp.dot(polt_ref[...], W2, preferred_element_type=jnp.float32)
    pol = (1.0 - m) * pr[0:1, :] + m * pr[1:2, :]
    enr = jnp.maximum(
        jnp.dot(lx, W1, preferred_element_type=jnp.float32) + pol + cb_ref[...],
        0.0)
    s = sums_ref[...]
    mean_agg = jnp.concatenate([s[0], s[1]], axis=-1).astype(jnp.float32)
    cnt = cnt_ref[0, :, 0:1] + cnt_ref[1, :, 0:1]
    mean_agg = mean_agg / jnp.maximum(cnt, 1.0)
    conv = (jnp.dot(mean_agg, Wl_ref[...], preferred_element_type=jnp.float32)
            + bl_ref[...]
            + jnp.dot(enr, Wr_ref[...], preferred_element_type=jnp.float32)
            + br_ref[...])
    h = conv + enr
    mu = jnp.mean(h, axis=-1, keepdims=True)
    var = jnp.mean((h - mu) ** 2, axis=-1, keepdims=True)
    lo = (h - mu) * lax.rsqrt(var + 1e-5) * g_ref[...] + b_ref[...]
    lit_out_ref[...] = lo
    row = pl.program_id(0) * BR1 + lax.broadcasted_iota(jnp.int32, (BR1, 1), 0)
    ok = row < N
    qkv = jnp.dot(lo.astype(jnp.bfloat16), Wq_ref[...].astype(jnp.bfloat16),
                  preferred_element_type=jnp.float32) + bq_ref[...]
    qkv = jnp.where(ok, qkv, 0.0)
    qkv16 = qkv.astype(jnp.bfloat16)
    ones_col = jnp.where(ok, 1.0, 0.0)
    zpad = jnp.zeros((BR1, DH - 1), jnp.float32)
    for hh in range(H):
        q_ref[hh] = (qkv[:, hh * DH:(hh + 1) * DH] * 0.125).astype(jnp.bfloat16)
        k_ref[hh] = qkv16[:, D + hh * DH:D + (hh + 1) * DH]
        v_ref[hh] = jnp.concatenate(
            [qkv[:, 2 * D + hh * DH:2 * D + (hh + 1) * DH], ones_col, zpad],
            axis=-1).astype(jnp.bfloat16)


def _fuse1(litx_p, raw_p, sums2, cnt2, pol_table, combine_W, combine_b,
           Wl, bl, Wr, br, Wq, bq, g, b, interpret=False):
    nblk = NP // BR1
    full = lambda shape: pl.BlockSpec(shape, lambda i: tuple(0 for _ in shape))
    return pl.pallas_call(
        _fuse1_body,
        grid=(nblk,),
        in_specs=[
            pl.BlockSpec((BR1, D), lambda i: (i, 0)),
            pl.BlockSpec((BR1, 4), lambda i: (i, 0)),
            pl.BlockSpec((2, BR1, GW), lambda i: (0, i, 0)),
            pl.BlockSpec((2, BR1, 16), lambda i: (0, i, 0)),
            full((2, D)),
            full((2 * D, D)),
            full((1, D)),
            full((D, D)),
            full((1, D)),
            full((D, D)),
            full((1, D)),
            full((D, 3 * D)),
            full((1, 3 * D)),
            full((1, D)),
            full((1, D)),
        ],
        out_specs=[
            pl.BlockSpec((BR1, D), lambda i: (i, 0)),
            pl.BlockSpec((H, BR1, DH), lambda i: (0, i, 0)),
            pl.BlockSpec((H, BR1, DH), lambda i: (0, i, 0)),
            pl.BlockSpec((H, BR1, 2 * DH), lambda i: (0, i, 0)),
        ],
        out_shape=[
            jax.ShapeDtypeStruct((NP, D), jnp.float32),
            jax.ShapeDtypeStruct((H, NP, DH), jnp.bfloat16),
            jax.ShapeDtypeStruct((H, NP, DH), jnp.bfloat16),
            jax.ShapeDtypeStruct((H, NP, 2 * DH), jnp.bfloat16),
        ],
        interpret=interpret,
    )(litx_p, raw_p, sums2, cnt2, pol_table, combine_W, combine_b,
      Wl, bl, Wr, br, Wq, bq, g, b)



BRA = 512


def _attn_body(q_ref, k_ref, v_ref, o_ref):
    s = lax.dot_general(q_ref[0], k_ref[0], (((1,), (1,)), ((), ())),
                        preferred_element_type=jnp.float32)
    p = jnp.exp(s)
    o_aug = jnp.dot(p.astype(jnp.bfloat16), v_ref[0],
                    preferred_element_type=jnp.float32)
    o_ref[0] = (o_aug[:, :DH] / o_aug[:, DH:DH + 1]).astype(jnp.bfloat16)


def _attn(q, k, v, interpret=False):
    return pl.pallas_call(
        _attn_body,
        grid=(H, NP // BRA),
        in_specs=[
            pl.BlockSpec((1, BRA, DH), lambda h, i: (h, i, 0)),
            pl.BlockSpec((1, NP, DH), lambda h, i: (h, 0, 0)),
            pl.BlockSpec((1, NP, 2 * DH), lambda h, i: (h, 0, 0)),
        ],
        out_specs=pl.BlockSpec((1, BRA, DH), lambda h, i: (h, i, 0)),
        out_shape=jax.ShapeDtypeStruct((H, NP, DH), jnp.bfloat16),
        interpret=interpret,
    )(q, k, v)



BR3 = 400


def _post_body(a_ref, lo_ref, Wo_ref, bo_ref, Wp_ref, bp_ref, out_ref):
    a = jnp.concatenate([a_ref[hh] for hh in range(H)], axis=-1)
    ap = (jnp.dot(a, Wo_ref[...].astype(jnp.bfloat16),
                  preferred_element_type=jnp.float32)
          + bo_ref[...]).astype(jnp.bfloat16)
    out_ref[...] = jnp.maximum(
        jnp.dot(ap, Wp_ref[...].astype(jnp.bfloat16),
                preferred_element_type=jnp.float32)
        + bp_ref[...], 0.0) + lo_ref[...]


def _post(attn, lit_out, Wo, bo, Wp, bp, interpret=False):
    full = lambda shape: pl.BlockSpec(shape, lambda i: tuple(0 for _ in shape))
    return pl.pallas_call(
        _post_body,
        grid=(N // BR3,),
        in_specs=[
            pl.BlockSpec((H, BR3, DH), lambda i: (0, i, 0)),
            pl.BlockSpec((BR3, D), lambda i: (i, 0)),
            full((D, D)),
            full((1, D)),
            full((D, D)),
            full((1, D)),
        ],
        out_specs=pl.BlockSpec((BR3, D), lambda i: (i, 0)),
        out_shape=jax.ShapeDtypeStruct((N, D), jnp.float32),
        interpret=interpret,
    )(attn, lit_out, Wo, bo, Wp, bp)




def kernel(lit_x, term_x, lit_raw, edge_index, pol_table, combine_W,
           combine_b, sage_lin_l_W, sage_lin_l_b, sage_lin_r_W, sage_lin_r_b,
           attn_in_W, attn_in_b, attn_out_W, attn_out_b, ln_g, ln_b,
           post_W, post_b):
    src = edge_index[1].astype(jnp.int32)
    dst = edge_index[0].astype(jnp.int32)
    ed = jnp.stack([src.reshape(NCHUNK, CH), dst.reshape(NCHUNK, CH)], axis=1)
    term16 = term_x.astype(jnp.bfloat16)
    sums2, cnt2 = _sc_segment(term16[:, :GW], term16[:, GW:], ed)

    litx_p = jnp.pad(lit_x, ((0, NP - N), (0, 0)))
    raw_p = jnp.pad(lit_raw, ((0, NP - N), (0, 0)))

    lit_out, q, k, v = _fuse1(
        litx_p, raw_p, sums2, cnt2, pol_table, combine_W,
        combine_b.reshape(1, D), sage_lin_l_W, sage_lin_l_b.reshape(1, D),
        sage_lin_r_W, sage_lin_r_b.reshape(1, D), attn_in_W,
        attn_in_b.reshape(1, 3 * D), ln_g.reshape(1, D), ln_b.reshape(1, D))

    attn = _attn(q, k, v)

    return _post(attn, lit_out, attn_out_W, attn_out_b.reshape(1, D),
                 post_W, post_b.reshape(1, D))

# --- scband reference (transcript-rebuilt; emitter-appended) ---
"""Pipeline reference for scband-literal-level-mpn-39084202393946 (READ-ONLY COPY).

The authoritative reference and input builder live on the scoring server;
editing this copy changes nothing except your own understanding.
"""

import jax, jax.numpy as jnp
import numpy as np

N_LIT = 10000
N_TERM = 10000
E = 160000
D = 256
H = 4


def setup_inputs(seed: int = 0) -> dict:
    key = jax.random.key(seed)
    ks = jax.random.split(key, 20)
    s = 0.05
    inp = {}
    inp["lit_x"] = jax.random.normal(ks[0], (N_LIT, D), dtype=jnp.float32)
    inp["term_x"] = jax.random.normal(ks[1], (N_TERM, D), dtype=jnp.float32)
    inp["lit_raw"] = jax.random.randint(ks[2], (N_LIT, 4), 0, 2).astype(jnp.float32)
    inp["edge_index"] = jax.random.randint(ks[3], (2, E), 0, N_LIT)
    # learned parameters
    inp["pol_table"] = jax.random.normal(ks[4], (2, D), dtype=jnp.float32) * s
    inp["combine_W"] = jax.random.normal(ks[5], (2 * D, D), dtype=jnp.float32) * s
    inp["combine_b"] = jnp.zeros((D,), jnp.float32)
    inp["sage_lin_l_W"] = jax.random.normal(ks[6], (D, D), dtype=jnp.float32) * s
    inp["sage_lin_l_b"] = jnp.zeros((D,), jnp.float32)
    inp["sage_lin_r_W"] = jax.random.normal(ks[7], (D, D), dtype=jnp.float32) * s
    inp["sage_lin_r_b"] = jnp.zeros((D,), jnp.float32)
    inp["attn_in_W"] = jax.random.normal(ks[8], (D, 3 * D), dtype=jnp.float32) * s
    inp["attn_in_b"] = jnp.zeros((3 * D,), jnp.float32)
    inp["attn_out_W"] = jax.random.normal(ks[9], (D, D), dtype=jnp.float32) * s
    inp["attn_out_b"] = jnp.zeros((D,), jnp.float32)
    inp["ln_g"] = jnp.ones((D,), jnp.float32)
    inp["ln_b"] = jnp.zeros((D,), jnp.float32)
    inp["post_W"] = jax.random.normal(ks[10], (D, D), dtype=jnp.float32) * s
    inp["post_b"] = jnp.zeros((D,), jnp.float32)
    return inp


def reference(lit_x, term_x, lit_raw, edge_index, pol_table, combine_W, combine_b,
              sage_lin_l_W, sage_lin_l_b, sage_lin_r_W, sage_lin_r_b,
              attn_in_W, attn_in_b, attn_out_W, attn_out_b,
              ln_g, ln_b, post_W, post_b):
    N, Dm = lit_x.shape
    heads = 4
    DH = Dm // heads
    # polarity embedding lookup (gather)
    pol_ids = jnp.clip((1.0 - lit_raw[:, 0]).astype(jnp.int32), 0, 1)
    pol = jnp.take(pol_table, pol_ids, axis=0)
    lit_enriched = jax.nn.relu(jnp.concatenate([lit_x, pol], axis=-1) @ combine_W + combine_b)
    # SAGEConv over reversed has_atom edges: src=term (row 1), dst=literal (row 0)
    dst = edge_index[0]
    src = edge_index[1]
    msgs = jnp.take(term_x, src, axis=0)
    sums = jax.ops.segment_sum(msgs, dst, num_segments=N)
    cnt = jax.ops.segment_sum(jnp.ones((msgs.shape[0],), jnp.float32), dst, num_segments=N)
    mean_agg = sums / jnp.clip(cnt, 1.0, None)[:, None]
    conv_out = mean_agg @ sage_lin_l_W + sage_lin_l_b + lit_enriched @ sage_lin_r_W + sage_lin_r_b
    # residual + layernorm (dropout is identity in eval)
    h = conv_out + lit_enriched
    mu = jnp.mean(h, axis=-1, keepdims=True)
    var = jnp.mean((h - mu) ** 2, axis=-1, keepdims=True)
    lit_out = (h - mu) / jnp.sqrt(var + 1e-5) * ln_g + ln_b
    # multi-head self-attention over all literals (batch of 1)
    qkv = lit_out @ attn_in_W + attn_in_b
    q = qkv[:, :Dm]
    k = qkv[:, Dm:2 * Dm]
    v = qkv[:, 2 * Dm:]
    scale = 1.0 / jnp.sqrt(jnp.float32(DH))
    head_outs = []
    for hh in range(heads):
        sl = slice(hh * DH, (hh + 1) * DH)
        qh = q[:, sl]
        kh = k[:, sl]
        vh = v[:, sl]
        scores = (qh @ kh.T) * scale
        p = jax.nn.softmax(scores, axis=-1)
        head_outs.append(p @ vh)
    attn = jnp.concatenate(head_outs, axis=-1) @ attn_out_W + attn_out_b
    # post-attention MLP with residual
    lit_final = jax.nn.relu(attn @ post_W + post_b) + lit_out
    return lit_final

if __name__ == "__main__":
    import jax
    _d = setup_inputs()
    print(jax.jit(kernel)(*tuple(_d.values())))

</pallas_src>

<mosaic_0001>
#map = affine_map<(d0, d1) -> (0, 0)>
#map1 = affine_map<(d0, d1) -> (0, 0, 0)>
module attributes {stable_mosaic.version = 14 : i64} {
  func.func @_sc_body(%arg0: i32, %arg1: i32, %arg2: memref<10000x128xbf16, #tpu.memory_space<hbm>>, %arg3: memref<10000x128xbf16, #tpu.memory_space<hbm>>, %arg4: memref<1250x2x128xi32, #tpu.memory_space<hbm>>, %arg5: memref<2x10240x128xbf16, #tpu.memory_space<hbm>>, %arg6: memref<2x10240x16xf32, #tpu.memory_space<hbm>>, %arg7: memref<2x128xi32, #tpu.memory_space<vmem>>, %arg8: memref<2x128xi32, #tpu.memory_space<vmem>>, %arg9: memref<128x128xbf16, #tpu.memory_space<vmem>>, %arg10: memref<128x128xbf16, #tpu.memory_space<vmem>>, %arg11: memref<128x16xf32, #tpu.memory_space<vmem>>, %arg12: memref<128x128xbf16, #tpu.memory_space<vmem>>, %arg13: memref<128x16xf32, #tpu.memory_space<vmem>>, %arg14: memref<10240x128xbf16, #tpu.memory_space<vmem_shared>>, %arg15: memref<10240x16xf32, #tpu.memory_space<vmem_shared>>, %arg16: memref<!tpu.dma_semaphore, #tpu.memory_space<semaphore_mem>>, %arg17: memref<!tpu.dma_semaphore, #tpu.memory_space<semaphore_mem>>) attributes {dimension_semantics = [#tpu.dimension_semantics<core_parallel>, #tpu.dimension_semantics<subcore_parallel>], iteration_bounds = array<i64: 2, 16>, scalar_prefetch = 0 : i64, scratch_operands = 11 : i64, tpu.core_type = #tpu.core_type<sc_vector_subcore>, window_params = [{transform_indices = #map}, {transform_indices = #map}, {transform_indices = #map1}, {transform_indices = #map1}, {transform_indices = #map1}]} {
    %broadcast_in_dim3A = arith.constant 0.000000e+00 : bf16
    %broadcast_in_dim3A_0 = vector.broadcast %broadcast_in_dim3A : bf16 to vector<32xbf16>
    %broadcast_in_dim3A_1 = arith.constant 0.000000e+00 : f32
    %broadcast_in_dim3A_2 = vector.broadcast %broadcast_in_dim3A_1 : f32 to vector<16xf32>
    %iota3A = tpu.iota {dimensions = array<i32: 0>} : vector<16xi32>
    %eq3A = arith.constant 0 : i32
    %eq3A_3 = vector.broadcast %eq3A : i32 to vector<16xi32>
    %eq3A_4 = arith.cmpi eq, %iota3A, %eq3A_3 : vector<16xi32>
    %jit3A = arith.constant 1.000000e+00 : f32
    %jit3A_5 = arith.constant 0.000000e+00 : f32
    %broadcast_in_dim3A_6 = vector.broadcast %jit3A : f32 to vector<16xf32>
    %broadcast_in_dim3A_7 = vector.broadcast %jit3A_5 : f32 to vector<16xf32>
    %select_n3A = arith.select %eq3A_4, %broadcast_in_dim3A_6, %broadcast_in_dim3A_7 : vector<16xi1>, vector<16xf32>
    %scan3A = arith.constant 0 : i32
    %scan3A_8 = arith.constant 0 : i32
    %scan3A_9 = arith.constant 128 : i32
    %scan3A_10 = arith.addi %scan3A_8, %scan3A_9 : i32
    %scan3A_11 = arith.constant 1 : i32
    %scan3A_12 = scf.for %scan3A_49 = %scan3A_8 to %scan3A_10 step %scan3A_11 iter_args(%scan3A_50 = %scan3A) -> (i32)  : i32 {
      %swap3A = arith.index_cast %scan3A_49 : i32 to index
      %swap3A_51 = arith.constant 0 : index
      %swap3A_52 = tpu.vector_load %arg12[%swap3A, %swap3A_51] {strides = array<i32>} : memref<128x128xbf16, #tpu.memory_space<vmem>>, vector<1x32xbf16>,
      %swap3A_53 = vector.shape_cast %swap3A_52 : vector<1x32xbf16> to vector<32xbf16>
      %swap3A_54 = vector.shape_cast %broadcast_in_dim3A_0 : vector<32xbf16> to vector<1x32xbf16>
      tpu.vector_store %arg12[%swap3A, %swap3A_51], %swap3A_54 {strides = array<i32>} : memref<128x128xbf16, #tpu.memory_space<vmem>>, vector<1x32xbf16>,
      %swap3A_55 = arith.index_cast %scan3A_49 : i32 to index
      %swap3A_56 = arith.constant 32 : index
      %swap3A_57 = tpu.vector_load %arg12[%swap3A_55, %swap3A_56] {strides = array<i32>} : memref<128x128xbf16, #tpu.memory_space<vmem>>, vector<1x32xbf16>,
      %swap3A_58 = vector.shape_cast %swap3A_57 : vector<1x32xbf16> to vector<32xbf16>
      %swap3A_59 = vector.shape_cast %broadcast_in_dim3A_0 : vector<32xbf16> to vector<1x32xbf16>
      tpu.vector_store %arg12[%swap3A_55, %swap3A_56], %swap3A_59 {strides = array<i32>} : memref<128x128xbf16, #tpu.memory_space<vmem>>, vector<1x32xbf16>,
      %swap3A_60 = arith.index_cast %scan3A_49 : i32 to index
      %swap3A_61 = arith.constant 64 : index
      %swap3A_62 = tpu.vector_load %arg12[%swap3A_60, %swap3A_61] {strides = array<i32>} : memref<128x128xbf16, #tpu.memory_space<vmem>>, vector<1x32xbf16>,
      %swap3A_63 = vector.shape_cast %swap3A_62 : vector<1x32xbf16> to vector<32xbf16>
      %swap3A_64 = vector.shape_cast %broadcast_in_dim3A_0 : vector<32xbf16> to vector<1x32xbf16>
      tpu.vector_store %arg12[%swap3A_60, %swap3A_61], %swap3A_64 {strides = array<i32>} : memref<128x128xbf16, #tpu.memory_space<vmem>>, vector<1x32xbf16>,
      %swap3A_65 = arith.index_cast %scan3A_49 : i32 to index
      %swap3A_66 = arith.constant 96 : index
      %swap3A_67 = tpu.vector_load %arg12[%swap3A_65, %swap3A_66] {strides = array<i32>} : memref<128x128xbf16, #tpu.memory_space<vmem>>, vector<1x32xbf16>,
      %swap3A_68 = vector.shape_cast %swap3A_67 : vector<1x32xbf16> to vector<32xbf16>
      %swap3A_69 = vector.shape_cast %broadcast_in_dim3A_0 : vector<32xbf16> to vector<1x32xbf16>
      tpu.vector_store %arg12[%swap3A_65, %swap3A_66], %swap3A_69 {strides = array<i32>} : memref<128x128xbf16, #tpu.memory_space<vmem>>, vector<1x32xbf16>,
      %swap3A_70 = arith.index_cast %scan3A_49 : i32 to index
      %swap3A_71 = arith.constant 0 : index
      %swap3A_72 = tpu.vector_load %arg13[%swap3A_70, %swap3A_71] {strides = array<i32>} : memref<128x16xf32, #tpu.memory_space<vmem>>, vector<1x16xf32>,
      %swap3A_73 = vector.shape_cast %swap3A_72 : vector<1x16xf32> to vector<16xf32>
      %swap3A_74 = vector.shape_cast %broadcast_in_dim3A_2 : vector<16xf32> to vector<1x16xf32>
      tpu.vector_store %arg13[%swap3A_70, %swap3A_71], %swap3A_74 {strides = array<i32>} : memref<128x16xf32, #tpu.memory_space<vmem>>, vector<1x16xf32>,
      %swap3A_75 = arith.index_cast %scan3A_49 : i32 to index
      %swap3A_76 = arith.constant 0 : index
      %swap3A_77 = tpu.vector_load %arg11[%swap3A_75, %swap3A_76] {strides = array<i32>} : memref<128x16xf32, #tpu.memory_space<vmem>>, vector<1x16xf32>,
      %swap3A_78 = vector.shape_cast %swap3A_77 : vector<1x16xf32> to vector<16xf32>
      %swap3A_79 = vector.shape_cast %select_n3A : vector<16xf32> to vector<1x16xf32>
      tpu.vector_store %arg11[%swap3A_75, %swap3A_76], %swap3A_79 {strides = array<i32>} : memref<128x16xf32, #tpu.memory_space<vmem>>, vector<1x16xf32>,
      %scan3A_80 = arith.constant 0 : i32
      scf.yield %scan3A_80 : i32
    }
    %scan3A_13 = arith.constant 128 : i32
    %scan3A_14 = arith.constant 0 : i32
    %scan3A_15 = arith.constant 0 : i32
    %scan3A_16 = arith.constant 5 : i32
    %scan3A_17 = arith.addi %scan3A_15, %scan3A_16 : i32
    %scan3A_18 = arith.constant 1 : i32
    %scan3A_19 = scf.for %scan3A_49 = %scan3A_15 to %scan3A_17 step %scan3A_18 iter_args(%scan3A_50 = %scan3A_14) -> (i32)  : i32 {
      %mul3A_51 = arith.constant 640 : i32
      %mul3A_52 = arith.muli %arg1, %mul3A_51 : i32
      %mul3A_53 = arith.constant 128 : i32
      %mul3A_54 = arith.muli %scan3A_49, %mul3A_53 : i32
      %add3A_55 = arith.addi %mul3A_52, %mul3A_54 : i32
      "tpu.region"() ({
        %run_scoped3A = tpu.sem_alloc : memref<!tpu.dma_semaphore, #tpu.memory_space<semaphore_mem>>
        %dma_start3A = arith.constant 0 : i32
        %dma_start3A_57 = tpu.memref_slice %arg14[%add3A_55, %dma_start3A] : memref<10240x128xbf16, #tpu.memory_space<vmem_shared>> -> memref<128x128xbf16, #tpu.memory_space<vmem_shared>>
        %dma_start3A_58 = arith.constant 0 : i32
        %dma_start3A_59 = tpu.memref_slice %arg14[%add3A_55, %dma_start3A_58] : memref<10240x128xbf16, #tpu.memory_space<vmem_shared>> -> memref<128x128xbf16, #tpu.memory_space<vmem_shared>>
        tpu.enqueue_dma source(%arg12 : memref<128x128xbf16, #tpu.memory_space<vmem>>) target(%dma_start3A_59 : memref<128x128xbf16, #tpu.memory_space<vmem_shared>>) target_semaphore(%run_scoped3A : memref<!tpu.dma_semaphore, #tpu.memory_space<semaphore_mem>>)
        %dma_wait3A = arith.constant 0 : i32
        %dma_wait3A_60 = tpu.memref_slice %arg14[%add3A_55, %dma_wait3A] : memref<10240x128xbf16, #tpu.memory_space<vmem_shared>> -> memref<128x128xbf16, #tpu.memory_space<vmem_shared>>
        %dma_wait3A_61 = arith.constant 0 : i32
        %dma_wait3A_62 = tpu.memref_slice %arg14[%add3A_55, %dma_wait3A_61] : memref<10240x128xbf16, #tpu.memory_space<vmem_shared>> -> memref<128x128xbf16, #tpu.memory_space<vmem_shared>>
        tpu.wait_dma2 semaphore(%run_scoped3A : memref<!tpu.dma_semaphore, #tpu.memory_space<semaphore_mem>>) src(%arg12 : memref<128x128xbf16, #tpu.memory_space<vmem>>) dst(%dma_wait3A_62 : memref<128x128xbf16, #tpu.memory_space<vmem_shared>>)
        tpu.yield
      }) : () -> ()
      "tpu.region"() ({
        %run_scoped3A = tpu.sem_alloc : memref<!tpu.dma_semaphore, #tpu.memory_space<semaphore_mem>>
        %dma_start3A = arith.constant 0 : i32
        %dma_start3A_57 = tpu.memref_slice %arg15[%add3A_55, %dma_start3A] : memref<10240x16xf32, #tpu.memory_space<vmem_shared>> -> memref<128x16xf32, #tpu.memory_space<vmem_shared>>
        %dma_start3A_58 = arith.constant 0 : i32
        %dma_start3A_59 = tpu.memref_slice %arg15[%add3A_55, %dma_start3A_58] : memref<10240x16xf32, #tpu.memory_space<vmem_shared>> -> memref<128x16xf32, #tpu.memory_space<vmem_shared>>
        tpu.enqueue_dma source(%arg13 : memref<128x16xf32, #tpu.memory_space<vmem>>) target(%dma_start3A_59 : memref<128x16xf32, #tpu.memory_space<vmem_shared>>) target_semaphore(%run_scoped3A : memref<!tpu.dma_semaphore, #tpu.memory_space<semaphore_mem>>)
        %dma_wait3A = arith.constant 0 : i32
        %dma_wait3A_60 = tpu.memref_slice %arg15[%add3A_55, %dma_wait3A] : memref<10240x16xf32, #tpu.memory_space<vmem_shared>> -> memref<128x16xf32, #tpu.memory_space<vmem_shared>>
        %dma_wait3A_61 = arith.constant 0 : i32
        %dma_wait3A_62 = tpu.memref_slice %arg15[%add3A_55, %dma_wait3A_61] : memref<10240x16xf32, #tpu.memory_space<vmem_shared>> -> memref<128x16xf32, #tpu.memory_space<vmem_shared>>
        tpu.wait_dma2 semaphore(%run_scoped3A : memref<!tpu.dma_semaphore, #tpu.memory_space<semaphore_mem>>) src(%arg13 : memref<128x16xf32, #tpu.memory_space<vmem>>) dst(%dma_wait3A_62 : memref<128x16xf32, #tpu.memory_space<vmem_shared>>)
        tpu.yield
      }) : () -> ()
      %scan3A_56 = arith.constant 0 : i32
      scf.yield %scan3A_56 : i32
    }
    %scan3A_20 = arith.constant 5 : i32
    %barrier3A = arith.constant 0 : index
    tpu.barrier barrier_id(%barrier3A)
    %lt3A = arith.constant 2 : i32
    %lt3A_21 = arith.cmpi slt, %arg1, %lt3A : i32
    %jit3A_22 = arith.constant 79 : i32
    %jit3A_23 = arith.constant 78 : i32
    %select_n3A_24 = arith.select %lt3A_21, %jit3A_22, %jit3A_23 : i32
    %jit3A_25 = arith.constant 2 : i32
    %eq3A_26 = arith.constant 0 : i32
    %eq3A_27 = arith.cmpi eq, %jit3A_25, %eq3A_26 : i32
    %jit3A_28 = arith.constant 1 : i32
    %select_n3A_29 = arith.select %eq3A_27, %jit3A_28, %jit3A_25 : i32
    %rem3A = arith.remsi %arg1, %select_n3A_29 : i32
    %ne3A = arith.constant 0 : i32
    %ne3A_30 = arith.cmpi ne, %rem3A, %ne3A : i32
    %lt3A_31 = arith.constant 0 : i32
    %lt3A_32 = arith.cmpi slt, %rem3A, %lt3A_31 : i32
    %lt3A_33 = arith.constant 0 : i32
    %lt3A_34 = arith.cmpi slt, %select_n3A_29, %lt3A_33 : i32
    %ne3A_35 = arith.xori %lt3A_32, %lt3A_34 : i1
    %and3A = arith.andi %ne3A_35, %ne3A_30 : i1
    %add3A = arith.addi %rem3A, %select_n3A_29 : i32
    %select_n3A_36 = arith.select %and3A, %add3A, %rem3A : i32
    %eq3A_37 = arith.cmpi eq, %select_n3A_36, %arg0 : i32
    %gt3A = arith.constant 0 : i32
    %gt3A_38 = arith.cmpi sgt, %select_n3A_24, %gt3A : i32
    %convert_element_type3A = arith.extui %gt3A_38 : i1 to i32
    %cond3A = arith.constant 0 : i32
    %cond3A_39 = arith.cmpi ne, %convert_element_type3A, %cond3A : i32
    scf.if %cond3A_39 {
      %add3A_49 = arith.constant 0 : i32
      %add3A_50 = arith.addi %arg1, %add3A_49 : i32
      "tpu.region"() ({
        %run_scoped3A = tpu.sem_alloc : memref<!tpu.dma_semaphore, #tpu.memory_space<semaphore_mem>>
        %dma_start3A = arith.constant 0 : i32
        %dma_start3A_61 = arith.constant 0 : i32
        %dma_start3A_62 = tpu.memref_slice %arg4[%add3A_50, %dma_start3A, %dma_start3A_61] : memref<1250x2x128xi32, #tpu.memory_space<hbm>> -> memref<1x2x128xi32, #tpu.memory_space<hbm>>
        %dma_start3A_63 = tpu.memref_squeeze %dma_start3A_62 : memref<1x2x128xi32, #tpu.memory_space<hbm>> -> memref<2x128xi32, #tpu.memory_space<hbm>>
        %dma_start3A_64 = arith.constant 0 : i32
        %dma_start3A_65 = arith.constant 0 : i32
        %dma_start3A_66 = tpu.memref_slice %arg4[%add3A_50, %dma_start3A_64, %dma_start3A_65] : memref<1250x2x128xi32, #tpu.memory_space<hbm>> -> memref<1x2x128xi32, #tpu.memory_space<hbm>>
        %dma_start3A_67 = tpu.memref_squeeze %dma_start3A_66 : memref<1x2x128xi32, #tpu.memory_space<hbm>> -> memref<2x128xi32, #tpu.memory_space<hbm>>
        tpu.enqueue_dma source(%dma_start3A_67 : memref<2x128xi32, #tpu.memory_space<hbm>>) target(%arg7 : memref<2x128xi32, #tpu.memory_space<vmem>>) target_semaphore(%run_scoped3A : memref<!tpu.dma_semaphore, #tpu.memory_space<semaphore_mem>>)
        %dma_wait3A = arith.constant 0 : i32
        %dma_wait3A_68 = arith.constant 0 : i32
        %dma_wait3A_69 = tpu.memref_slice %arg4[%add3A_50, %dma_wait3A, %dma_wait3A_68] : memref<1250x2x128xi32, #tpu.memory_space<hbm>> -> memref<1x2x128xi32, #tpu.memory_space<hbm>>
        %dma_wait3A_70 = tpu.memref_squeeze %dma_wait3A_69 : memref<1x2x128xi32, #tpu.memory_space<hbm>> -> memref<2x128xi32, #tpu.memory_space<hbm>>
        %dma_wait3A_71 = arith.constant 0 : i32
        %dma_wait3A_72 = arith.constant 0 : i32
        %dma_wait3A_73 = tpu.memref_slice %arg4[%add3A_50, %dma_wait3A_71, %dma_wait3A_72] : memref<1250x2x128xi32, #tpu.memory_space<hbm>> -> memref<1x2x128xi32, #tpu.memory_space<hbm>>
        %dma_wait3A_74 = tpu.memref_squeeze %dma_wait3A_73 : memref<1x2x128xi32, #tpu.memory_space<hbm>> -> memref<2x128xi32, #tpu.memory_space<hbm>>
        tpu.wait_dma2 semaphore(%run_scoped3A : memref<!tpu.dma_semaphore, #tpu.memory_space<semaphore_mem>>) src(%dma_wait3A_74 : memref<2x128xi32, #tpu.memory_space<hbm>>) dst(%arg7 : memref<2x128xi32, #tpu.memory_space<vmem>>)
        tpu.yield
      }) : () -> ()
      %eq3A_51 = arith.constant 0 : i32
      %eq3A_52 = arith.cmpi eq, %arg0, %eq3A_51 : i32
      %convert_element_type3A_53 = arith.extui %eq3A_52 : i1 to i32
      %cond3A_54 = arith.constant 0 : i32
      %cond3A_55 = arith.cmpi ne, %convert_element_type3A_53, %cond3A_54 : i32
      scf.if %cond3A_55 {
        %dma_start3A = arith.constant 0 : i32
        %dma_start3A_61 = arith.constant 0 : i32
        %dma_start3A_62 = tpu.memref_slice %arg7[%dma_start3A, %dma_start3A_61] : memref<2x128xi32, #tpu.memory_space<vmem>> -> memref<1x128xi32, #tpu.memory_space<vmem>>
        %dma_start3A_63 = tpu.memref_squeeze %dma_start3A_62 : memref<1x128xi32, #tpu.memory_space<vmem>> -> memref<128xi32, #tpu.memory_space<vmem>>
        %dma_start3A_64 = arith.constant 0 : i32
        %dma_start3A_65 = arith.constant 0 : i32
        %dma_start3A_66 = tpu.memref_slice %arg2[%dma_start3A_64, %dma_start3A_65] : memref<10000x128xbf16, #tpu.memory_space<hbm>> -> memref<10000x128xbf16, #tpu.memory_space<hbm>>
        tpu.enqueue_indirect_dma source(%dma_start3A_66 : memref<10000x128xbf16, #tpu.memory_space<hbm>>) target(%arg9 : memref<128x128xbf16, #tpu.memory_space<vmem>>) offsets(%dma_start3A_63 : memref<128xi32, #tpu.memory_space<vmem>>) semaphore(%arg16 : memref<!tpu.dma_semaphore, #tpu.memory_space<semaphore_mem>>)
      } else {
      }
      %eq3A_56 = arith.constant 1 : i32
      %eq3A_57 = arith.cmpi eq, %arg0, %eq3A_56 : i32
      %convert_element_type3A_58 = arith.extui %eq3A_57 : i1 to i32
      %cond3A_59 = arith.constant 0 : i32
      %cond3A_60 = arith.cmpi ne, %convert_element_type3A_58, %cond3A_59 : i32
      scf.if %cond3A_60 {
        %dma_start3A = arith.constant 0 : i32
        %dma_start3A_61 = arith.constant 0 : i32
        %dma_start3A_62 = tpu.memref_slice %arg7[%dma_start3A, %dma_start3A_61] : memref<2x128xi32, #tpu.memory_space<vmem>> -> memref<1x128xi32, #tpu.memory_space<vmem>>
        %dma_start3A_63 = tpu.memref_squeeze %dma_start3A_62 : memref<1x128xi32, #tpu.memory_space<vmem>> -> memref<128xi32, #tpu.memory_space<vmem>>
        %dma_start3A_64 = arith.constant 0 : i32
        %dma_start3A_65 = arith.constant 0 : i32
        %dma_start3A_66 = tpu.memref_slice %arg3[%dma_start3A_64, %dma_start3A_65] : memref<10000x128xbf16, #tpu.memory_space<hbm>> -> memref<10000x128xbf16, #tpu.memory_space<hbm>>
        tpu.enqueue_indirect_dma source(%dma_start3A_66 : memref<10000x128xbf16, #tpu.memory_space<hbm>>) target(%arg9 : memref<128x128xbf16, #tpu.memory_space<vmem>>) offsets(%dma_start3A_63 : memref<128xi32, #tpu.memory_space<vmem>>) semaphore(%arg16 : memref<!tpu.dma_semaphore, #tpu.memory_space<semaphore_mem>>)
      } else {
      }
    } else {
    }
    %scan3A_40 = arith.constant 0 : i32
    %scan3A_41 = arith.constant 0 : i32
    %scan3A_42 = arith.constant 40 : i32
    %scan3A_43 = arith.addi %scan3A_41, %scan3A_42 : i32
    %scan3A_44 = arith.constant 1 : i32
    %scan3A_45 = scf.for %scan3A_49 = %scan3A_41 to %scan3A_43 step %scan3A_44 iter_args(%scan3A_50 = %scan3A_40) -> (i32)  : i32 {
      %mul3A_51 = arith.constant 2 : i32
      %mul3A_52 = arith.muli %scan3A_49, %mul3A_51 : i32
      %add3A_53 = arith.constant 0 : i32
      %add3A_54 = arith.addi %mul3A_52, %add3A_53 : i32
      %add3A_55 = arith.constant 1 : i32
      %add3A_56 = arith.addi %add3A_54, %add3A_55 : i32
      %lt3A_57 = arith.cmpi slt, %add3A_56, %select_n3A_24 : i32
      %convert_element_type3A_58 = arith.extui %lt3A_57 : i1 to i32
      %cond3A_59 = arith.constant 0 : i32
      %cond3A_60 = arith.cmpi ne, %convert_element_type3A_58, %cond3A_59 : i32
      scf.if %cond3A_60 {
        %add3A_80 = arith.constant 1 : i32
        %add3A_81 = arith.addi %add3A_54, %add3A_80 : i32
        %mul3A_82 = arith.constant 16 : i32
        %mul3A_83 = arith.muli %add3A_81, %mul3A_82 : i32
        %add3A_84 = arith.addi %arg1, %mul3A_83 : i32
        "tpu.region"() ({
          %run_scoped3A = tpu.sem_alloc : memref<!tpu.dma_semaphore, #tpu.memory_space<semaphore_mem>>
          %dma_start3A = arith.constant 0 : i32
          %dma_start3A_95 = arith.constant 0 : i32
          %dma_start3A_96 = tpu.memref_slice %arg4[%add3A_84, %dma_start3A, %dma_start3A_95] : memref<1250x2x128xi32, #tpu.memory_space<hbm>> -> memref<1x2x128xi32, #tpu.memory_space<hbm>>
          %dma_start3A_97 = tpu.memref_squeeze %dma_start3A_96 : memref<1x2x128xi32, #tpu.memory_space<hbm>> -> memref<2x128xi32, #tpu.memory_space<hbm>>
          %dma_start3A_98 = arith.constant 0 : i32
          %dma_start3A_99 = arith.constant 0 : i32
          %dma_start3A_100 = tpu.memref_slice %arg4[%add3A_84, %dma_start3A_98, %dma_start3A_99] : memref<1250x2x128xi32, #tpu.memory_space<hbm>> -> memref<1x2x128xi32, #tpu.memory_space<hbm>>
          %dma_start3A_101 = tpu.memref_squeeze %dma_start3A_100 : memref<1x2x128xi32, #tpu.memory_space<hbm>> -> memref<2x128xi32, #tpu.memory_space<hbm>>
          tpu.enqueue_dma source(%dma_start3A_101 : memref<2x128xi32, #tpu.memory_space<hbm>>) target(%arg8 : memref<2x128xi32, #tpu.memory_space<vmem>>) target_semaphore(%run_scoped3A : memref<!tpu.dma_semaphore, #tpu.memory_space<semaphore_mem>>)
          %dma_wait3A = arith.constant 0 : i32
          %dma_wait3A_102 = arith.constant 0 : i32
          %dma_wait3A_103 = tpu.memref_slice %arg4[%add3A_84, %dma_wait3A, %dma_wait3A_102] : memref<1250x2x128xi32, #tpu.memory_space<hbm>> -> memref<1x2x128xi32, #tpu.memory_space<hbm>>
          %dma_wait3A_104 = tpu.memref_squeeze %dma_wait3A_103 : memref<1x2x128xi32, #tpu.memory_space<hbm>> -> memref<2x128xi32, #tpu.memory_space<hbm>>
          %dma_wait3A_105 = arith.constant 0 : i32
          %dma_wait3A_106 = arith.constant 0 : i32
          %dma_wait3A_107 = tpu.memref_slice %arg4[%add3A_84, %dma_wait3A_105, %dma_wait3A_106] : memref<1250x2x128xi32, #tpu.memory_space<hbm>> -> memref<1x2x128xi32, #tpu.memory_space<hbm>>
          %dma_wait3A_108 = tpu.memref_squeeze %dma_wait3A_107 : memref<1x2x128xi32, #tpu.memory_space<hbm>> -> memref<2x128xi32, #tpu.memory_space<hbm>>
          tpu.wait_dma2 semaphore(%run_scoped3A : memref<!tpu.dma_semaphore, #tpu.memory_space<semaphore_mem>>) src(%dma_wait3A_108 : memref<2x128xi32, #tpu.memory_space<hbm>>) dst(%arg8 : memref<2x128xi32, #tpu.memory_space<vmem>>)
          tpu.yield
        }) : () -> ()
        %eq3A_85 = arith.constant 0 : i32
        %eq3A_86 = arith.cmpi eq, %arg0, %eq3A_85 : i32
        %convert_element_type3A_87 = arith.extui %eq3A_86 : i1 to i32
        %cond3A_88 = arith.constant 0 : i32
        %cond3A_89 = arith.cmpi ne, %convert_element_type3A_87, %cond3A_88 : i32
        scf.if %cond3A_89 {
          %dma_start3A = arith.constant 0 : i32
          %dma_start3A_95 = arith.constant 0 : i32
          %dma_start3A_96 = tpu.memref_slice %arg8[%dma_start3A, %dma_start3A_95] : memref<2x128xi32, #tpu.memory_space<vmem>> -> memref<1x128xi32, #tpu.memory_space<vmem>>
          %dma_start3A_97 = tpu.memref_squeeze %dma_start3A_96 : memref<1x128xi32, #tpu.memory_space<vmem>> -> memref<128xi32, #tpu.memory_space<vmem>>
          %dma_start3A_98 = arith.constant 0 : i32
          %dma_start3A_99 = arith.constant 0 : i32
          %dma_start3A_100 = tpu.memref_slice %arg2[%dma_start3A_98, %dma_start3A_99] : memref<10000x128xbf16, #tpu.memory_space<hbm>> -> memref<10000x128xbf16, #tpu.memory_space<hbm>>
          tpu.enqueue_indirect_dma source(%dma_start3A_100 : memref<10000x128xbf16, #tpu.memory_space<hbm>>) target(%arg10 : memref<128x128xbf16, #tpu.memory_space<vmem>>) offsets(%dma_start3A_97 : memref<128xi32, #tpu.memory_space<vmem>>) semaphore(%arg17 : memref<!tpu.dma_semaphore, #tpu.memory_space<semaphore_mem>>)
        } else {
        }
        %eq3A_90 = arith.constant 1 : i32
        %eq3A_91 = arith.cmpi eq, %arg0, %eq3A_90 : i32
        %convert_element_type3A_92 = arith.extui %eq3A_91 : i1 to i32
        %cond3A_93 = arith.constant 0 : i32
        %cond3A_94 = arith.cmpi ne, %convert_element_type3A_92, %cond3A_93 : i32
        scf.if %cond3A_94 {
          %dma_start3A = arith.constant 0 : i32
          %dma_start3A_95 = arith.constant 0 : i32
          %dma_start3A_96 = tpu.memref_slice %arg8[%dma_start3A, %dma_start3A_95] : memref<2x128xi32, #tpu.memory_space<vmem>> -> memref<1x128xi32, #tpu.memory_space<vmem>>
          %dma_start3A_97 = tpu.memref_squeeze %dma_start3A_96 : memref<1x128xi32, #tpu.memory_space<vmem>> -> memref<128xi32, #tpu.memory_space<vmem>>
          %dma_start3A_98 = arith.constant 0 : i32
          %dma_start3A_99 = arith.constant 0 : i32
          %dma_start3A_100 = tpu.memref_slice %arg3[%dma_start3A_98, %dma_start3A_99] : memref<10000x128xbf16, #tpu.memory_space<hbm>> -> memref<10000x128xbf16, #tpu.memory_space<hbm>>
          tpu.enqueue_indirect_dma source(%dma_start3A_100 : memref<10000x128xbf16, #tpu.memory_space<hbm>>) target(%arg10 : memref<128x128xbf16, #tpu.memory_space<vmem>>) offsets(%dma_start3A_97 : memref<128xi32, #tpu.memory_space<vmem>>) semaphore(%arg17 : memref<!tpu.dma_semaphore, #tpu.memory_space<semaphore_mem>>)
        } else {
        }
      } else {
      }
      %lt3A_61 = arith.cmpi slt, %add3A_54, %select_n3A_24 : i32
      %convert_element_type3A_62 = arith.extui %lt3A_61 : i1 to i32
      %cond3A_63 = arith.constant 0 : i32
      %cond3A_64 = arith.cmpi ne, %convert_element_type3A_62, %cond3A_63 : i32
      scf.if %cond3A_64 {
        %convert_element_type3A_80 = arith.extui %eq3A_37 : i1 to i32
        %cond3A_81 = arith.constant 0 : i32
        %cond3A_82 = arith.cmpi ne, %convert_element_type3A_80, %cond3A_81 : i32
        scf.if %cond3A_82 {
          %run_scoped3A_93 = arith.constant 1 : i32
          "tpu.region"() ({
            %run_scoped3A_94 = tpu.sem_alloc : memref<!tpu.dma_semaphore, #tpu.memory_space<semaphore_mem>>
            %dma_start3A = arith.constant 0 : i32
            %dma_start3A_95 = tpu.memref_slice %arg7[%run_scoped3A_93, %dma_start3A] : memref<2x128xi32, #tpu.memory_space<vmem>> -> memref<1x128xi32, #tpu.memory_space<vmem>>
            %dma_start3A_96 = tpu.memref_squeeze %dma_start3A_95 : memref<1x128xi32, #tpu.memory_space<vmem>> -> memref<128xi32, #tpu.memory_space<vmem>>
            %dma_start3A_97 = arith.constant 0 : i32
            %dma_start3A_98 = arith.constant 0 : i32
            %dma_start3A_99 = tpu.memref_slice %arg15[%dma_start3A_97, %dma_start3A_98] : memref<10240x16xf32, #tpu.memory_space<vmem_shared>> -> memref<10240x16xf32, #tpu.memory_space<vmem_shared>>
            tpu.enqueue_indirect_dma source(%arg11 : memref<128x16xf32, #tpu.memory_space<vmem>>) target(%dma_start3A_99 : memref<10240x16xf32, #tpu.memory_space<vmem_shared>>) offsets(%dma_start3A_96 : memref<128xi32, #tpu.memory_space<vmem>>) semaphore(%run_scoped3A_94 : memref<!tpu.dma_semaphore, #tpu.memory_space<semaphore_mem>>) {add = true}
            %dma_wait3A = arith.constant 0 : i32
            %dma_wait3A_100 = tpu.memref_slice %arg7[%run_scoped3A_93, %dma_wait3A] : memref<2x128xi32, #tpu.memory_space<vmem>> -> memref<1x128xi32, #tpu.memory_space<vmem>>
            %dma_wait3A_101 = tpu.memref_squeeze %dma_wait3A_100 : memref<1x128xi32, #tpu.memory_space<vmem>> -> memref<128xi32, #tpu.memory_space<vmem>>
            %dma_wait3A_102 = arith.constant 0 : i32
            %dma_wait3A_103 = arith.constant 0 : i32
            %dma_wait3A_104 = tpu.memref_slice %arg15[%dma_wait3A_102, %dma_wait3A_103] : memref<10240x16xf32, #tpu.memory_space<vmem_shared>> -> memref<10240x16xf32, #tpu.memory_space<vmem_shared>>
            tpu.wait_indirect_dma semaphore(%run_scoped3A_94 : memref<!tpu.dma_semaphore, #tpu.memory_space<semaphore_mem>>) src(%arg11 : memref<128x16xf32, #tpu.memory_space<vmem>>) dst(%dma_wait3A_104 : memref<10240x16xf32, #tpu.memory_space<vmem_shared>>)
            tpu.yield
          }) : () -> ()
        } else {
        }
        %eq3A_83 = arith.constant 0 : i32
        %eq3A_84 = arith.cmpi eq, %arg0, %eq3A_83 : i32
        %convert_element_type3A_85 = arith.extui %eq3A_84 : i1 to i32
        %cond3A_86 = arith.constant 0 : i32
        %cond3A_87 = arith.cmpi ne, %convert_element_type3A_85, %cond3A_86 : i32
        scf.if %cond3A_87 {
          %dma_wait3A = arith.constant 0 : i32
          %dma_wait3A_93 = arith.constant 0 : i32
          %dma_wait3A_94 = tpu.memref_slice %arg7[%dma_wait3A, %dma_wait3A_93] : memref<2x128xi32, #tpu.memory_space<vmem>> -> memref<1x128xi32, #tpu.memory_space<vmem>>
          %dma_wait3A_95 = tpu.memref_squeeze %dma_wait3A_94 : memref<1x128xi32, #tpu.memory_space<vmem>> -> memref<128xi32, #tpu.memory_space<vmem>>
          %dma_wait3A_96 = arith.constant 0 : i32
          %dma_wait3A_97 = arith.constant 0 : i32
          %dma_wait3A_98 = tpu.memref_slice %arg2[%dma_wait3A_96, %dma_wait3A_97] : memref<10000x128xbf16, #tpu.memory_space<hbm>> -> memref<10000x128xbf16, #tpu.memory_space<hbm>>
          tpu.wait_indirect_dma semaphore(%arg16 : memref<!tpu.dma_semaphore, #tpu.memory_space<semaphore_mem>>) src(%dma_wait3A_98 : memref<10000x128xbf16, #tpu.memory_space<hbm>>) dst(%arg9 : memref<128x128xbf16, #tpu.memory_space<vmem>>)
        } else {
        }
        %eq3A_88 = arith.constant 1 : i32
        %eq3A_89 = arith.cmpi eq, %arg0, %eq3A_88 : i32
        %convert_element_type3A_90 = arith.extui %eq3A_89 : i1 to i32
        %cond3A_91 = arith.constant 0 : i32
        %cond3A_92 = arith.cmpi ne, %convert_element_type3A_90, %cond3A_91 : i32
        scf.if %cond3A_92 {
          %dma_wait3A = arith.constant 0 : i32
          %dma_wait3A_93 = arith.constant 0 : i32
          %dma_wait3A_94 = tpu.memref_slice %arg7[%dma_wait3A, %dma_wait3A_93] : memref<2x128xi32, #tpu.memory_space<vmem>> -> memref<1x128xi32, #tpu.memory_space<vmem>>
          %dma_wait3A_95 = tpu.memref_squeeze %dma_wait3A_94 : memref<1x128xi32, #tpu.memory_space<vmem>> -> memref<128xi32, #tpu.memory_space<vmem>>
          %dma_wait3A_96 = arith.constant 0 : i32
          %dma_wait3A_97 = arith.constant 0 : i32
          %dma_wait3A_98 = tpu.memref_slice %arg3[%dma_wait3A_96, %dma_wait3A_97] : memref<10000x128xbf16, #tpu.memory_space<hbm>> -> memref<10000x128xbf16, #tpu.memory_space<hbm>>
          tpu.wait_indirect_dma semaphore(%arg16 : memref<!tpu.dma_semaphore, #tpu.memory_space<semaphore_mem>>) src(%dma_wait3A_98 : memref<10000x128xbf16, #tpu.memory_space<hbm>>) dst(%arg9 : memref<128x128xbf16, #tpu.memory_space<vmem>>)
        } else {
        }
        %run_scoped3A = arith.constant 1 : i32
        "tpu.region"() ({
          %run_scoped3A_93 = tpu.sem_alloc : memref<!tpu.dma_semaphore, #tpu.memory_space<semaphore_mem>>
          %dma_start3A = arith.constant 0 : i32
          %dma_start3A_94 = tpu.memref_slice %arg7[%run_scoped3A, %dma_start3A] : memref<2x128xi32, #tpu.memory_space<vmem>> -> memref<1x128xi32, #tpu.memory_space<vmem>>
          %dma_start3A_95 = tpu.memref_squeeze %dma_start3A_94 : memref<1x128xi32, #tpu.memory_space<vmem>> -> memref<128xi32, #tpu.memory_space<vmem>>
          %dma_start3A_96 = arith.constant 0 : i32
          %dma_start3A_97 = arith.constant 0 : i32
          %dma_start3A_98 = tpu.memref_slice %arg14[%dma_start3A_96, %dma_start3A_97] : memref<10240x128xbf16, #tpu.memory_space<vmem_shared>> -> memref<10240x128xbf16, #tpu.memory_space<vmem_shared>>
          tpu.enqueue_indirect_dma source(%arg9 : memref<128x128xbf16, #tpu.memory_space<vmem>>) target(%dma_start3A_98 : memref<10240x128xbf16, #tpu.memory_space<vmem_shared>>) offsets(%dma_start3A_95 : memref<128xi32, #tpu.memory_space<vmem>>) semaphore(%run_scoped3A_93 : memref<!tpu.dma_semaphore, #tpu.memory_space<semaphore_mem>>) {add = true}
          %dma_wait3A = arith.constant 0 : i32
          %dma_wait3A_99 = tpu.memref_slice %arg7[%run_scoped3A, %dma_wait3A] : memref<2x128xi32, #tpu.memory_space<vmem>> -> memref<1x128xi32, #tpu.memory_space<vmem>>
          %dma_wait3A_100 = tpu.memref_squeeze %dma_wait3A_99 : memref<1x128xi32, #tpu.memory_space<vmem>> -> memref<128xi32, #tpu.memory_space<vmem>>
          %dma_wait3A_101 = arith.constant 0 : i32
          %dma_wait3A_102 = arith.constant 0 : i32
          %dma_wait3A_103 = tpu.memref_slice %arg14[%dma_wait3A_101, %dma_wait3A_102] : memref<10240x128xbf16, #tpu.memory_space<vmem_shared>> -> memref<10240x128xbf16, #tpu.memory_space<vmem_shared>>
          tpu.wait_indirect_dma semaphore(%run_scoped3A_93 : memref<!tpu.dma_semaphore, #tpu.memory_space<semaphore_mem>>) src(%arg9 : memref<128x128xbf16, #tpu.memory_space<vmem>>) dst(%dma_wait3A_103 : memref<10240x128xbf16, #tpu.memory_space<vmem_shared>>)
          tpu.yield
        }) : () -> ()
      } else {
      }
      %mul3A_65 = arith.constant 2 : i32
      %mul3A_66 = arith.muli %scan3A_49, %mul3A_65 : i32
      %add3A_67 = arith.constant 1 : i32
      %add3A_68 = arith.addi %mul3A_66, %add3A_67 : i32
      %add3A_69 = arith.constant 1 : i32
      %add3A_70 = arith.addi %add3A_68, %add3A_69 : i32
      %lt3A_71 = arith.cmpi slt, %add3A_70, %select_n3A_24 : i32
      %convert_element_type3A_72 = arith.extui %lt3A_71 : i1 to i32
      %cond3A_73 = arith.constant 0 : i32
      %cond3A_74 = arith.cmpi ne, %convert_element_type3A_72, %cond3A_73 : i32
      scf.if %cond3A_74 {
        %add3A_80 = arith.constant 1 : i32
        %add3A_81 = arith.addi %add3A_68, %add3A_80 : i32
        %mul3A_82 = arith.constant 16 : i32
        %mul3A_83 = arith.muli %add3A_81, %mul3A_82 : i32
        %add3A_84 = arith.addi %arg1, %mul3A_83 : i32
        "tpu.region"() ({
          %run_scoped3A = tpu.sem_alloc : memref<!tpu.dma_semaphore, #tpu.memory_space<semaphore_mem>>
          %dma_start3A = arith.constant 0 : i32
          %dma_start3A_95 = arith.constant 0 : i32
          %dma_start3A_96 = tpu.memref_slice %arg4[%add3A_84, %dma_start3A, %dma_start3A_95] : memref<1250x2x128xi32, #tpu.memory_space<hbm>> -> memref<1x2x128xi32, #tpu.memory_space<hbm>>
          %dma_start3A_97 = tpu.memref_squeeze %dma_start3A_96 : memref<1x2x128xi32, #tpu.memory_space<hbm>> -> memref<2x128xi32, #tpu.memory_space<hbm>>
          %dma_start3A_98 = arith.constant 0 : i32
          %dma_start3A_99 = arith.constant 0 : i32
          %dma_start3A_100 = tpu.memref_slice %arg4[%add3A_84, %dma_start3A_98, %dma_start3A_99] : memref<1250x2x128xi32, #tpu.memory_space<hbm>> -> memref<1x2x128xi32, #tpu.memory_space<hbm>>
          %dma_start3A_101 = tpu.memref_squeeze %dma_start3A_100 : memref<1x2x128xi32, #tpu.memory_space<hbm>> -> memref<2x128xi32, #tpu.memory_space<hbm>>
          tpu.enqueue_dma source(%dma_start3A_101 : memref<2x128xi32, #tpu.memory_space<hbm>>) target(%arg7 : memref<2x128xi32, #tpu.memory_space<vmem>>) target_semaphore(%run_scoped3A : memref<!tpu.dma_semaphore, #tpu.memory_space<semaphore_mem>>)
          %dma_wait3A = arith.constant 0 : i32
          %dma_wait3A_102 = arith.constant 0 : i32
          %dma_wait3A_103 = tpu.memref_slice %arg4[%add3A_84, %dma_wait3A, %dma_wait3A_102] : memref<1250x2x128xi32, #tpu.memory_space<hbm>> -> memref<1x2x128xi32, #tpu.memory_space<hbm>>
          %dma_wait3A_104 = tpu.memref_squeeze %dma_wait3A_103 : memref<1x2x128xi32, #tpu.memory_space<hbm>> -> memref<2x128xi32, #tpu.memory_space<hbm>>
          %dma_wait3A_105 = arith.constant 0 : i32
          %dma_wait3A_106 = arith.constant 0 : i32
          %dma_wait3A_107 = tpu.memref_slice %arg4[%add3A_84, %dma_wait3A_105, %dma_wait3A_106] : memref<1250x2x128xi32, #tpu.memory_space<hbm>> -> memref<1x2x128xi32, #tpu.memory_space<hbm>>
          %dma_wait3A_108 = tpu.memref_squeeze %dma_wait3A_107 : memref<1x2x128xi32, #tpu.memory_space<hbm>> -> memref<2x128xi32, #tpu.memory_space<hbm>>
          tpu.wait_dma2 semaphore(%run_scoped3A : memref<!tpu.dma_semaphore, #tpu.memory_space<semaphore_mem>>) src(%dma_wait3A_108 : memref<2x128xi32, #tpu.memory_space<hbm>>) dst(%arg7 : memref<2x128xi32, #tpu.memory_space<vmem>>)
          tpu.yield
        }) : () -> ()
        %eq3A_85 = arith.constant 0 : i32
        %eq3A_86 = arith.cmpi eq, %arg0, %eq3A_85 : i32
        %convert_element_type3A_87 = arith.extui %eq3A_86 : i1 to i32
        %cond3A_88 = arith.constant 0 : i32
        %cond3A_89 = arith.cmpi ne, %convert_element_type3A_87, %cond3A_88 : i32
        scf.if %cond3A_89 {
          %dma_start3A = arith.constant 0 : i32
          %dma_start3A_95 = arith.constant 0 : i32
          %dma_start3A_96 = tpu.memref_slice %arg7[%dma_start3A, %dma_start3A_95] : memref<2x128xi32, #tpu.memory_space<vmem>> -> memref<1x128xi32, #tpu.memory_space<vmem>>
          %dma_start3A_97 = tpu.memref_squeeze %dma_start3A_96 : memref<1x128xi32, #tpu.memory_space<vmem>> -> memref<128xi32, #tpu.memory_space<vmem>>
          %dma_start3A_98 = arith.constant 0 : i32
          %dma_start3A_99 = arith.constant 0 : i32
          %dma_start3A_100 = tpu.memref_slice %arg2[%dma_start3A_98, %dma_start3A_99] : memref<10000x128xbf16, #tpu.memory_space<hbm>> -> memref<10000x128xbf16, #tpu.memory_space<hbm>>
          tpu.enqueue_indirect_dma source(%dma_start3A_100 : memref<10000x128xbf16, #tpu.memory_space<hbm>>) target(%arg9 : memref<128x128xbf16, #tpu.memory_space<vmem>>) offsets(%dma_start3A_97 : memref<128xi32, #tpu.memory_space<vmem>>) semaphore(%arg16 : memref<!tpu.dma_semaphore, #tpu.memory_space<semaphore_mem>>)
        } else {
        }
        %eq3A_90 = arith.constant 1 : i32
        %eq3A_91 = arith.cmpi eq, %arg0, %eq3A_90 : i32
        %convert_element_type3A_92 = arith.extui %eq3A_91 : i1 to i32
        %cond3A_93 = arith.constant 0 : i32
        %cond3A_94 = arith.cmpi ne, %convert_element_type3A_92, %cond3A_93 : i32
        scf.if %cond3A_94 {
          %dma_start3A = arith.constant 0 : i32
          %dma_start3A_95 = arith.constant 0 : i32
          %dma_start3A_96 = tpu.memref_slice %arg7[%dma_start3A, %dma_start3A_95] : memref<2x128xi32, #tpu.memory_space<vmem>> -> memref<1x128xi32, #tpu.memory_space<vmem>>
          %dma_start3A_97 = tpu.memref_squeeze %dma_start3A_96 : memref<1x128xi32, #tpu.memory_space<vmem>> -> memref<128xi32, #tpu.memory_space<vmem>>
          %dma_start3A_98 = arith.constant 0 : i32
          %dma_start3A_99 = arith.constant 0 : i32
          %dma_start3A_100 = tpu.memref_slice %arg3[%dma_start3A_98, %dma_start3A_99] : memref<10000x128xbf16, #tpu.memory_space<hbm>> -> memref<10000x128xbf16, #tpu.memory_space<hbm>>
          tpu.enqueue_indirect_dma source(%dma_start3A_100 : memref<10000x128xbf16, #tpu.memory_space<hbm>>) target(%arg9 : memref<128x128xbf16, #tpu.memory_space<vmem>>) offsets(%dma_start3A_97 : memref<128xi32, #tpu.memory_space<vmem>>) semaphore(%arg16 : memref<!tpu.dma_semaphore, #tpu.memory_space<semaphore_mem>>)
        } else {
        }
      } else {
      }
      %lt3A_75 = arith.cmpi slt, %add3A_68, %select_n3A_24 : i32
      %convert_element_type3A_76 = arith.extui %lt3A_75 : i1 to i32
      %cond3A_77 = arith.constant 0 : i32
      %cond3A_78 = arith.cmpi ne, %convert_element_type3A_76, %cond3A_77 : i32
      scf.if %cond3A_78 {
        %convert_element_type3A_80 = arith.extui %eq3A_37 : i1 to i32
        %cond3A_81 = arith.constant 0 : i32
        %cond3A_82 = arith.cmpi ne, %convert_element_type3A_80, %cond3A_81 : i32
        scf.if %cond3A_82 {
          %run_scoped3A_93 = arith.constant 1 : i32
          "tpu.region"() ({
            %run_scoped3A_94 = tpu.sem_alloc : memref<!tpu.dma_semaphore, #tpu.memory_space<semaphore_mem>>
            %dma_start3A = arith.constant 0 : i32
            %dma_start3A_95 = tpu.memref_slice %arg8[%run_scoped3A_93, %dma_start3A] : memref<2x128xi32, #tpu.memory_space<vmem>> -> memref<1x128xi32, #tpu.memory_space<vmem>>
            %dma_start3A_96 = tpu.memref_squeeze %dma_start3A_95 : memref<1x128xi32, #tpu.memory_space<vmem>> -> memref<128xi32, #tpu.memory_space<vmem>>
            %dma_start3A_97 = arith.constant 0 : i32
            %dma_start3A_98 = arith.constant 0 : i32
            %dma_start3A_99 = tpu.memref_slice %arg15[%dma_start3A_97, %dma_start3A_98] : memref<10240x16xf32, #tpu.memory_space<vmem_shared>> -> memref<10240x16xf32, #tpu.memory_space<vmem_shared>>
            tpu.enqueue_indirect_dma source(%arg11 : memref<128x16xf32, #tpu.memory_space<vmem>>) target(%dma_start3A_99 : memref<10240x16xf32, #tpu.memory_space<vmem_shared>>) offsets(%dma_start3A_96 : memref<128xi32, #tpu.memory_space<vmem>>) semaphore(%run_scoped3A_94 : memref<!tpu.dma_semaphore, #tpu.memory_space<semaphore_mem>>) {add = true}
            %dma_wait3A = arith.constant 0 : i32
            %dma_wait3A_100 = tpu.memref_slice %arg8[%run_scoped3A_93, %dma_wait3A] : memref<2x128xi32, #tpu.memory_space<vmem>> -> memref<1x128xi32, #tpu.memory_space<vmem>>
            %dma_wait3A_101 = tpu.memref_squeeze %dma_wait3A_100 : memref<1x128xi32, #tpu.memory_space<vmem>> -> memref<128xi32, #tpu.memory_space<vmem>>
            %dma_wait3A_102 = arith.constant 0 : i32
            %dma_wait3A_103 = arith.constant 0 : i32
            %dma_wait3A_104 = tpu.memref_slice %arg15[%dma_wait3A_102, %dma_wait3A_103] : memref<10240x16xf32, #tpu.memory_space<vmem_shared>> -> memref<10240x16xf32, #tpu.memory_space<vmem_shared>>
            tpu.wait_indirect_dma semaphore(%run_scoped3A_94 : memref<!tpu.dma_semaphore, #tpu.memory_space<semaphore_mem>>) src(%arg11 : memref<128x16xf32, #tpu.memory_space<vmem>>) dst(%dma_wait3A_104 : memref<10240x16xf32, #tpu.memory_space<vmem_shared>>)
            tpu.yield
          }) : () -> ()
        } else {
        }
        %eq3A_83 = arith.constant 0 : i32
        %eq3A_84 = arith.cmpi eq, %arg0, %eq3A_83 : i32
        %convert_element_type3A_85 = arith.extui %eq3A_84 : i1 to i32
        %cond3A_86 = arith.constant 0 : i32
        %cond3A_87 = arith.cmpi ne, %convert_element_type3A_85, %cond3A_86 : i32
        scf.if %cond3A_87 {
          %dma_wait3A = arith.constant 0 : i32
          %dma_wait3A_93 = arith.constant 0 : i32
          %dma_wait3A_94 = tpu.memref_slice %arg8[%dma_wait3A, %dma_wait3A_93] : memref<2x128xi32, #tpu.memory_space<vmem>> -> memref<1x128xi32, #tpu.memory_space<vmem>>
          %dma_wait3A_95 = tpu.memref_squeeze %dma_wait3A_94 : memref<1x128xi32, #tpu.memory_space<vmem>> -> memref<128xi32, #tpu.memory_space<vmem>>
          %dma_wait3A_96 = arith.constant 0 : i32
          %dma_wait3A_97 = arith.constant 0 : i32
          %dma_wait3A_98 = tpu.memref_slice %arg2[%dma_wait3A_96, %dma_wait3A_97] : memref<10000x128xbf16, #tpu.memory_space<hbm>> -> memref<10000x128xbf16, #tpu.memory_space<hbm>>
          tpu.wait_indirect_dma semaphore(%arg17 : memref<!tpu.dma_semaphore, #tpu.memory_space<semaphore_mem>>) src(%dma_wait3A_98 : memref<10000x128xbf16, #tpu.memory_space<hbm>>) dst(%arg10 : memref<128x128xbf16, #tpu.memory_space<vmem>>)
        } else {
        }
        %eq3A_88 = arith.constant 1 : i32
        %eq3A_89 = arith.cmpi eq, %arg0, %eq3A_88 : i32
        %convert_element_type3A_90 = arith.extui %eq3A_89 : i1 to i32
        %cond3A_91 = arith.constant 0 : i32
        %cond3A_92 = arith.cmpi ne, %convert_element_type3A_90, %cond3A_91 : i32
        scf.if %cond3A_92 {
          %dma_wait3A = arith.constant 0 : i32
          %dma_wait3A_93 = arith.constant 0 : i32
          %dma_wait3A_94 = tpu.memref_slice %arg8[%dma_wait3A, %dma_wait3A_93] : memref<2x128xi32, #tpu.memory_space<vmem>> -> memref<1x128xi32, #tpu.memory_space<vmem>>
          %dma_wait3A_95 = tpu.memref_squeeze %dma_wait3A_94 : memref<1x128xi32, #tpu.memory_space<vmem>> -> memref<128xi32, #tpu.memory_space<vmem>>
          %dma_wait3A_96 = arith.constant 0 : i32
          %dma_wait3A_97 = arith.constant 0 : i32
          %dma_wait3A_98 = tpu.memref_slice %arg3[%dma_wait3A_96, %dma_wait3A_97] : memref<10000x128xbf16, #tpu.memory_space<hbm>> -> memref<10000x128xbf16, #tpu.memory_space<hbm>>
          tpu.wait_indirect_dma semaphore(%arg17 : memref<!tpu.dma_semaphore, #tpu.memory_space<semaphore_mem>>) src(%dma_wait3A_98 : memref<10000x128xbf16, #tpu.memory_space<hbm>>) dst(%arg10 : memref<128x128xbf16, #tpu.memory_space<vmem>>)
        } else {
        }
        %run_scoped3A = arith.constant 1 : i32
        "tpu.region"() ({
          %run_scoped3A_93 = tpu.sem_alloc : memref<!tpu.dma_semaphore, #tpu.memory_space<semaphore_mem>>
          %dma_start3A = arith.constant 0 : i32
          %dma_start3A_94 = tpu.memref_slice %arg8[%run_scoped3A, %dma_start3A] : memref<2x128xi32, #tpu.memory_space<vmem>> -> memref<1x128xi32, #tpu.memory_space<vmem>>
          %dma_start3A_95 = tpu.memref_squeeze %dma_start3A_94 : memref<1x128xi32, #tpu.memory_space<vmem>> -> memref<128xi32, #tpu.memory_space<vmem>>
          %dma_start3A_96 = arith.constant 0 : i32
          %dma_start3A_97 = arith.constant 0 : i32
          %dma_start3A_98 = tpu.memref_slice %arg14[%dma_start3A_96, %dma_start3A_97] : memref<10240x128xbf16, #tpu.memory_space<vmem_shared>> -> memref<10240x128xbf16, #tpu.memory_space<vmem_shared>>
          tpu.enqueue_indirect_dma source(%arg10 : memref<128x128xbf16, #tpu.memory_space<vmem>>) target(%dma_start3A_98 : memref<10240x128xbf16, #tpu.memory_space<vmem_shared>>) offsets(%dma_start3A_95 : memref<128xi32, #tpu.memory_space<vmem>>) semaphore(%run_scoped3A_93 : memref<!tpu.dma_semaphore, #tpu.memory_space<semaphore_mem>>) {add = true}
          %dma_wait3A = arith.constant 0 : i32
          %dma_wait3A_99 = tpu.memref_slice %arg8[%run_scoped3A, %dma_wait3A] : memref<2x128xi32, #tpu.memory_space<vmem>> -> memref<1x128xi32, #tpu.memory_space<vmem>>
          %dma_wait3A_100 = tpu.memref_squeeze %dma_wait3A_99 : memref<1x128xi32, #tpu.memory_space<vmem>> -> memref<128xi32, #tpu.memory_space<vmem>>
          %dma_wait3A_101 = arith.constant 0 : i32
          %dma_wait3A_102 = arith.constant 0 : i32
          %dma_wait3A_103 = tpu.memref_slice %arg14[%dma_wait3A_101, %dma_wait3A_102] : memref<10240x128xbf16, #tpu.memory_space<vmem_shared>> -> memref<10240x128xbf16, #tpu.memory_space<vmem_shared>>
          tpu.wait_indirect_dma semaphore(%run_scoped3A_93 : memref<!tpu.dma_semaphore, #tpu.memory_space<semaphore_mem>>) src(%arg10 : memref<128x128xbf16, #tpu.memory_space<vmem>>) dst(%dma_wait3A_103 : memref<10240x128xbf16, #tpu.memory_space<vmem_shared>>)
          tpu.yield
        }) : () -> ()
      } else {
      }
      %scan3A_79 = arith.constant 0 : i32
      scf.yield %scan3A_79 : i32
    }
    %scan3A_46 = arith.constant 40 : i32
    %barrier3A_47 = arith.constant 0 : index
    tpu.barrier barrier_id(%barrier3A_47)
    %mul3A = arith.constant 640 : i32
    %mul3A_48 = arith.muli %arg1, %mul3A : i32
    "tpu.region"() ({
      %run_scoped3A = tpu.sem_alloc : memref<!tpu.dma_semaphore, #tpu.memory_space<semaphore_mem>>
      %dma_start3A = arith.constant 0 : i32
      %dma_start3A_49 = tpu.memref_slice %arg5[%arg0, %mul3A_48, %dma_start3A] : memref<2x10240x128xbf16, #tpu.memory_space<hbm>> -> memref<1x640x128xbf16, #tpu.memory_space<hbm>>
      %dma_start3A_50 = tpu.memref_squeeze %dma_start3A_49 : memref<1x640x128xbf16, #tpu.memory_space<hbm>> -> memref<640x128xbf16, #tpu.memory_space<hbm>>
      %dma_start3A_51 = arith.constant 0 : i32
      %dma_start3A_52 = tpu.memref_slice %arg14[%mul3A_48, %dma_start3A_51] : memref<10240x128xbf16, #tpu.memory_space<vmem_shared>> -> memref<640x128xbf16, #tpu.memory_space<vmem_shared>>
      tpu.enqueue_dma source(%dma_start3A_52 : memref<640x128xbf16, #tpu.memory_space<vmem_shared>>) target(%dma_start3A_50 : memref<640x128xbf16, #tpu.memory_space<hbm>>) target_semaphore(%run_scoped3A : memref<!tpu.dma_semaphore, #tpu.memory_space<semaphore_mem>>)
      %dma_wait3A = arith.constant 0 : i32
      %dma_wait3A_53 = tpu.memref_slice %arg5[%arg0, %mul3A_48, %dma_wait3A] : memref<2x10240x128xbf16, #tpu.memory_space<hbm>> -> memref<1x640x128xbf16, #tpu.memory_space<hbm>>
      %dma_wait3A_54 = tpu.memref_squeeze %dma_wait3A_53 : memref<1x640x128xbf16, #tpu.memory_space<hbm>> -> memref<640x128xbf16, #tpu.memory_space<hbm>>
      %dma_wait3A_55 = arith.constant 0 : i32
      %dma_wait3A_56 = tpu.memref_slice %arg14[%mul3A_48, %dma_wait3A_55] : memref<10240x128xbf16, #tpu.memory_space<vmem_shared>> -> memref<640x128xbf16, #tpu.memory_space<vmem_shared>>
      tpu.wait_dma2 semaphore(%run_scoped3A : memref<!tpu.dma_semaphore, #tpu.memory_space<semaphore_mem>>) src(%dma_wait3A_56 : memref<640x128xbf16, #tpu.memory_space<vmem_shared>>) dst(%dma_wait3A_54 : memref<640x128xbf16, #tpu.memory_space<hbm>>)
      tpu.yield
    }) : () -> ()
    "tpu.region"() ({
      %run_scoped3A = tpu.sem_alloc : memref<!tpu.dma_semaphore, #tpu.memory_space<semaphore_mem>>
      %dma_start3A = arith.constant 0 : i32
      %dma_start3A_49 = tpu.memref_slice %arg6[%arg0, %mul3A_48, %dma_start3A] : memref<2x10240x16xf32, #tpu.memory_space<hbm>> -> memref<1x640x16xf32, #tpu.memory_space<hbm>>
      %dma_start3A_50 = tpu.memref_squeeze %dma_start3A_49 : memref<1x640x16xf32, #tpu.memory_space<hbm>> -> memref<640x16xf32, #tpu.memory_space<hbm>>
      %dma_start3A_51 = arith.constant 0 : i32
      %dma_start3A_52 = tpu.memref_slice %arg15[%mul3A_48, %dma_start3A_51] : memref<10240x16xf32, #tpu.memory_space<vmem_shared>> -> memref<640x16xf32, #tpu.memory_space<vmem_shared>>
      tpu.enqueue_dma source(%dma_start3A_52 : memref<640x16xf32, #tpu.memory_space<vmem_shared>>) target(%dma_start3A_50 : memref<640x16xf32, #tpu.memory_space<hbm>>) target_semaphore(%run_scoped3A : memref<!tpu.dma_semaphore, #tpu.memory_space<semaphore_mem>>)
      %dma_wait3A = arith.constant 0 : i32
      %dma_wait3A_53 = tpu.memref_slice %arg6[%arg0, %mul3A_48, %dma_wait3A] : memref<2x10240x16xf32, #tpu.memory_space<hbm>> -> memref<1x640x16xf32, #tpu.memory_space<hbm>>
      %dma_wait3A_54 = tpu.memref_squeeze %dma_wait3A_53 : memref<1x640x16xf32, #tpu.memory_space<hbm>> -> memref<640x16xf32, #tpu.memory_space<hbm>>
      %dma_wait3A_55 = arith.constant 0 : i32
      %dma_wait3A_56 = tpu.memref_slice %arg15[%mul3A_48, %dma_wait3A_55] : memref<10240x16xf32, #tpu.memory_space<vmem_shared>> -> memref<640x16xf32, #tpu.memory_space<vmem_shared>>
      tpu.wait_dma2 semaphore(%run_scoped3A : memref<!tpu.dma_semaphore, #tpu.memory_space<semaphore_mem>>) src(%dma_wait3A_56 : memref<640x16xf32, #tpu.memory_space<vmem_shared>>) dst(%dma_wait3A_54 : memref<640x16xf32, #tpu.memory_space<hbm>>)
      tpu.yield
    }) : () -> ()
    return
  }
}

module attributes {stable_mosaic.version = 14 : i64} {
  func.func @_fuse1_body(%arg0: i32, %arg1: memref<1024x256xf32, #tpu.memory_space<vmem>>, %arg2: memref<1024x4xf32, #tpu.memory_space<vmem>>, %arg3: memref<2x1024x128xbf16, #tpu.memory_space<vmem>>, %arg4: memref<2x1024x16xf32, #tpu.memory_space<vmem>>, %arg5: memref<2x256xf32, #tpu.memory_space<vmem>>, %arg6: memref<512x256xf32, #tpu.memory_space<vmem>>, %arg7: memref<1x256xf32, #tpu.memory_space<vmem>>, %arg8: memref<256x256xf32, #tpu.memory_space<vmem>>, %arg9: memref<1x256xf32, #tpu.memory_space<vmem>>, %arg10: memref<256x256xf32, #tpu.memory_space<vmem>>, %arg11: memref<1x256xf32, #tpu.memory_space<vmem>>, %arg12: memref<256x768xf32, #tpu.memory_space<vmem>>, %arg13: memref<1x768xf32, #tpu.memory_space<vmem>>, %arg14: memref<1x256xf32, #tpu.memory_space<vmem>>, %arg15: memref<1x256xf32, #tpu.memory_space<vmem>>, %arg16: memref<1024x256xf32, #tpu.memory_space<vmem>>, %arg17: memref<4x1024x64xbf16, #tpu.memory_space<vmem>>, %arg18: memref<4x1024x64xbf16, #tpu.memory_space<vmem>>, %arg19: memref<4x1024x128xbf16, #tpu.memory_space<vmem>>) attributes {dimension_semantics = [#tpu.dimension_semantics<arbitrary>], iteration_bounds = array<i64: 10>, scalar_prefetch = 0 : i64, scratch_operands = 0 : i64, tpu.core_type = #tpu.core_type<tc>, window_params = [{transform_indices = @transform_0, window_bounds = array<i64: 1024, 256>}, {transform_indices = @transform_1, window_bounds = array<i64: 1024, 4>}, {transform_indices = @transform_2, window_bounds = array<i64: 2, 1024, 128>}, {transform_indices = @transform_3, window_bounds = array<i64: 2, 1024, 16>}, {pipeline_mode = #tpu.pipeline_mode<synchronous>, transform_indices = @transform_4, window_bounds = array<i64: 2, 256>}, {pipeline_mode = #tpu.pipeline_mode<synchronous>, transform_indices = @transform_5, window_bounds = array<i64: 512, 256>}, {pipeline_mode = #tpu.pipeline_mode<synchronous>, transform_indices = @transform_6, window_bounds = array<i64: 1, 256>}, {pipeline_mode = #tpu.pipeline_mode<synchronous>, transform_indices = @transform_7, window_bounds = array<i64: 256, 256>}, {pipeline_mode = #tpu.pipeline_mode<synchronous>, transform_indices = @transform_8, window_bounds = array<i64: 1, 256>}, {pipeline_mode = #tpu.pipeline_mode<synchronous>, transform_indices = @transform_9, window_bounds = array<i64: 256, 256>}, {pipeline_mode = #tpu.pipeline_mode<synchronous>, transform_indices = @transform_10, window_bounds = array<i64: 1, 256>}, {pipeline_mode = #tpu.pipeline_mode<synchronous>, transform_indices = @transform_11, window_bounds = array<i64: 256, 768>}, {pipeline_mode = #tpu.pipeline_mode<synchronous>, transform_indices = @transform_12, window_bounds = array<i64: 1, 768>}, {pipeline_mode = #tpu.pipeline_mode<synchronous>, transform_indices = @transform_13, window_bounds = array<i64: 1, 256>}, {pipeline_mode = #tpu.pipeline_mode<synchronous>, transform_indices = @transform_14, window_bounds = array<i64: 1, 256>}, {transform_indices = @transform_15, window_bounds = array<i64: 1024, 256>}, {transform_indices = @transform_16, window_bounds = array<i64: 4, 1024, 64>}, {transform_indices = @transform_17, window_bounds = array<i64: 4, 1024, 64>}, {transform_indices = @transform_18, window_bounds = array<i64: 4, 1024, 128>}]} {
    %get3A = arith.constant 0 : index
    %get3A_0 = arith.constant 0 : index
    %get3A_1 = vector.load %arg1[%get3A, %get3A_0] : memref<1024x256xf32, #tpu.memory_space<vmem>>, vector<1024x256xf32>
    %get3A_2 = arith.constant 0 : index
    %get3A_3 = arith.constant 0 : index
    %get3A_4 = vector.load %arg2[%get3A_2, %get3A_3] : memref<1024x4xf32, #tpu.memory_space<vmem>>, vector<1024x1xf32>
    %sub3A = arith.constant 1.000000e+00 : f32
    %sub3A_5 = vector.broadcast %sub3A : f32 to vector<1024x1xf32>
    %sub3A_6 = arith.subf %sub3A_5, %get3A_4 : vector<1024x1xf32>
    %jit3A = arith.constant 0.000000e+00 : f32
    %jit3A_7 = arith.constant 1.000000e+00 : f32
    %max3A = vector.broadcast %jit3A : f32 to vector<1024x1xf32>
    %max3A_8 = arith.maximumf %max3A, %sub3A_6 : vector<1024x1xf32>
    %min3A = vector.broadcast %jit3A_7 : f32 to vector<1024x1xf32>
    %min3A_9 = arith.minimumf %min3A, %max3A_8 : vector<1024x1xf32>
    %get3A_10 = arith.constant 0 : index
    %get3A_11 = arith.constant 0 : index
    %get3A_12 = vector.load %arg6[%get3A_10, %get3A_11] : memref<512x256xf32, #tpu.memory_space<vmem>>, vector<256x256xf32>
    %get3A_13 = arith.constant 256 : index
    %get3A_14 = arith.constant 0 : index
    %get3A_15 = vector.load %arg6[%get3A_13, %get3A_14] : memref<512x256xf32, #tpu.memory_space<vmem>>, vector<256x256xf32>
    %get3A_16 = arith.constant 0 : index
    %get3A_17 = arith.constant 0 : index
    %get3A_18 = vector.load %arg5[%get3A_16, %get3A_17] : memref<2x256xf32, #tpu.memory_space<vmem>>, vector<2x256xf32>
    %dot_general3A = arith.constant dense<0.000000e+00> : vector<2x256xf32>
    %dot_general3A_19 = tpu.matmul %get3A_18, %get3A_15, %dot_general3A {dimension_numbers = #tpu.dot_dimension_numbers<[1], [0], [0], [1], [0, 0, 1, 1], [], []>, transpose_lhs_hint = false} : vector<2x256xf32>, vector<256x256xf32>, vector<2x256xf32> -> vector<2x256xf32>
    %sub3A_20 = arith.constant 1.000000e+00 : f32
    %sub3A_21 = vector.broadcast %sub3A_20 : f32 to vector<1024x1xf32>
    %sub3A_22 = arith.subf %sub3A_21, %min3A_9 : vector<1024x1xf32>
    %slice3A = vector.extract_strided_slice %dot_general3A_19 {offsets = [0, 0], sizes = [1, 256], strides = [1, 1]} : vector<2x256xf32> to vector<1x256xf32>
    %mul3A = vector.broadcast %sub3A_22 : vector<1024x1xf32> to vector<1024x256xf32>
    %mul3A_23 = vector.broadcast %slice3A : vector<1x256xf32> to vector<1024x256xf32>
    %mul3A_24 = arith.mulf %mul3A, %mul3A_23 : vector<1024x256xf32>
    %slice3A_25 = vector.extract_strided_slice %dot_general3A_19 {offsets = [1, 0], sizes = [1, 256], strides = [1, 1]} : vector<2x256xf32> to vector<1x256xf32>
    %mul3A_26 = vector.broadcast %min3A_9 : vector<1024x1xf32> to vector<1024x256xf32>
    %mul3A_27 = vector.broadcast %slice3A_25 : vector<1x256xf32> to vector<1024x256xf32>
    %mul3A_28 = arith.mulf %mul3A_26, %mul3A_27 : vector<1024x256xf32>
    %add3A = arith.addf %mul3A_24, %mul3A_28 : vector<1024x256xf32>
    %dot_general3A_29 = arith.constant dense<0.000000e+00> : vector<1024x256xf32>
    %dot_general3A_30 = tpu.matmul %get3A_1, %get3A_12, %dot_general3A_29 {dimension_numbers = #tpu.dot_dimension_numbers<[1], [0], [0], [1], [0, 0, 1, 1], [], []>, transpose_lhs_hint = false} : vector<1024x256xf32>, vector<256x256xf32>, vector<1024x256xf32> -> vector<1024x256xf32>
    %add3A_31 = arith.addf %dot_general3A_30, %add3A : vector<1024x256xf32>
    %get3A_32 = arith.constant 0 : index
    %get3A_33 = arith.constant 0 : index
    %get3A_34 = vector.load %arg7[%get3A_32, %get3A_33] : memref<1x256xf32, #tpu.memory_space<vmem>>, vector<1x256xf32>
    %add3A_35 = vector.broadcast %get3A_34 : vector<1x256xf32> to vector<1024x256xf32>
    %add3A_36 = arith.addf %add3A_31, %add3A_35 : vector<1024x256xf32>
    %max3A_37 = arith.constant 0.000000e+00 : f32
    %max3A_38 = vector.broadcast %max3A_37 : f32 to vector<1024x256xf32>
    %max3A_39 = arith.maximumf %add3A_36, %max3A_38 : vector<1024x256xf32>
    %get3A_40 = arith.constant 0 : index
    %get3A_41 = arith.constant 0 : index
    %get3A_42 = arith.constant 0 : index
    %get3A_43 = vector.load %arg3[%get3A_40, %get3A_41, %get3A_42] : memref<2x1024x128xbf16, #tpu.memory_space<vmem>>, vector<2x1024x128xbf16>
    %slice3A_44 = vector.extract_strided_slice %get3A_43 {offsets = [0, 0, 0], sizes = [1, 1024, 128], strides = [1, 1, 1]} : vector<2x1024x128xbf16> to vector<1x1024x128xbf16>
    %squeeze3A = vector.shape_cast %slice3A_44 : vector<1x1024x128xbf16> to vector<1024x128xbf16>
    %slice3A_45 = vector.extract_strided_slice %get3A_43 {offsets = [1, 0, 0], sizes = [1, 1024, 128], strides = [1, 1, 1]} : vector<2x1024x128xbf16> to vector<1x1024x128xbf16>
    %squeeze3A_46 = vector.shape_cast %slice3A_45 : vector<1x1024x128xbf16> to vector<1024x128xbf16>
    %concatenate3A = tpu.concatenate %squeeze3A, %squeeze3A_46 in 1 : vector<1024x128xbf16>, vector<1024x128xbf16> -> vector<1024x256xbf16>
    %convert_element_type3A = arith.extf %concatenate3A : vector<1024x256xbf16> to vector<1024x256xf32>
    %get3A_47 = arith.constant 0 : index
    %get3A_48 = arith.constant 0 : index
    %get3A_49 = arith.constant 0 : index
    %get3A_50 = vector.load %arg4[%get3A_47, %get3A_48, %get3A_49] : memref<2x1024x16xf32, #tpu.memory_space<vmem>>, vector<1x1024x1xf32>
    %get3A_51 = vector.shape_cast %get3A_50 : vector<1x1024x1xf32> to vector<1024x1xf32>
    %get3A_52 = arith.constant 1 : index
    %get3A_53 = arith.constant 0 : index
    %get3A_54 = arith.constant 0 : index
    %get3A_55 = vector.load %arg4[%get3A_52, %get3A_53, %get3A_54] : memref<2x1024x16xf32, #tpu.memory_space<vmem>>, vector<1x1024x1xf32>
    %get3A_56 = vector.shape_cast %get3A_55 : vector<1x1024x1xf32> to vector<1024x1xf32>
    %add3A_57 = arith.addf %get3A_51, %get3A_56 : vector<1024x1xf32>
    %max3A_58 = arith.constant 1.000000e+00 : f32
    %max3A_59 = vector.broadcast %max3A_58 : f32 to vector<1024x1xf32>
    %max3A_60 = arith.maximumf %add3A_57, %max3A_59 : vector<1024x1xf32>
    %div3A = vector.broadcast %max3A_60 : vector<1024x1xf32> to vector<1024x256xf32>
    %div3A_61 = arith.divf %convert_element_type3A, %div3A : vector<1024x256xf32>
    %get3A_62 = arith.constant 0 : index
    %get3A_63 = arith.constant 0 : index
    %get3A_64 = vector.load %arg8[%get3A_62, %get3A_63] : memref<256x256xf32, #tpu.memory_space<vmem>>, vector<256x256xf32>
    %dot_general3A_65 = arith.constant dense<0.000000e+00> : vector<1024x256xf32>
    %dot_general3A_66 = tpu.matmul %div3A_61, %get3A_64, %dot_general3A_65 {dimension_numbers = #tpu.dot_dimension_numbers<[1], [0], [0], [1], [0, 0, 1, 1], [], []>, transpose_lhs_hint = false} : vector<1024x256xf32>, vector<256x256xf32>, vector<1024x256xf32> -> vector<1024x256xf32>
    %get3A_67 = arith.constant 0 : index
    %get3A_68 = arith.constant 0 : index
    %get3A_69 = vector.load %arg9[%get3A_67, %get3A_68] : memref<1x256xf32, #tpu.memory_space<vmem>>, vector<1x256xf32>
    %add3A_70 = vector.broadcast %get3A_69 : vector<1x256xf32> to vector<1024x256xf32>
    %add3A_71 = arith.addf %dot_general3A_66, %add3A_70 : vector<1024x256xf32>
    %get3A_72 = arith.constant 0 : index
    %get3A_73 = arith.constant 0 : index
    %get3A_74 = vector.load %arg10[%get3A_72, %get3A_73] : memref<256x256xf32, #tpu.memory_space<vmem>>, vector<256x256xf32>
    %dot_general3A_75 = arith.constant dense<0.000000e+00> : vector<1024x256xf32>
    %dot_general3A_76 = tpu.matmul %max3A_39, %get3A_74, %dot_general3A_75 {dimension_numbers = #tpu.dot_dimension_numbers<[1], [0], [0], [1], [0, 0, 1, 1], [], []>, transpose_lhs_hint = false} : vector<1024x256xf32>, vector<256x256xf32>, vector<1024x256xf32> -> vector<1024x256xf32>
    %add3A_77 = arith.addf %add3A_71, %dot_general3A_76 : vector<1024x256xf32>
    %get3A_78 = arith.constant 0 : index
    %get3A_79 = arith.constant 0 : index
    %get3A_80 = vector.load %arg11[%get3A_78, %get3A_79] : memref<1x256xf32, #tpu.memory_space<vmem>>, vector<1x256xf32>
    %add3A_81 = vector.broadcast %get3A_80 : vector<1x256xf32> to vector<1024x256xf32>
    %add3A_82 = arith.addf %add3A_77, %add3A_81 : vector<1024x256xf32>
    %add3A_83 = arith.addf %add3A_82, %max3A_39 : vector<1024x256xf32>
    %reduce_sum3A = arith.constant dense<0.000000e+00> : vector<1024xf32>
    %reduce_sum3A_84 = vector.multi_reduction <add>, %add3A_83, %reduce_sum3A [1] : vector<1024x256xf32> to vector<1024xf32>
    %broadcast_in_dim3A = vector.shape_cast %reduce_sum3A_84 : vector<1024xf32> to vector<1024x1xf32>
    %div3A_85 = arith.constant 2.560000e+02 : f32
    %div3A_86 = vector.broadcast %div3A_85 : f32 to vector<1024x1xf32>
    %div3A_87 = arith.divf %broadcast_in_dim3A, %div3A_86 : vector<1024x1xf32>
    %sub3A_88 = vector.broadcast %div3A_87 : vector<1024x1xf32> to vector<1024x256xf32>
    %sub3A_89 = arith.subf %add3A_83, %sub3A_88 : vector<1024x256xf32>
    %integer_pow3A = arith.mulf %sub3A_89, %sub3A_89 : vector<1024x256xf32>
    %reduce_sum3A_90 = arith.constant dense<0.000000e+00> : vector<1024xf32>
    %reduce_sum3A_91 = vector.multi_reduction <add>, %integer_pow3A, %reduce_sum3A_90 [1] : vector<1024x256xf32> to vector<1024xf32>
    %broadcast_in_dim3A_92 = vector.shape_cast %reduce_sum3A_91 : vector<1024xf32> to vector<1024x1xf32>
    %div3A_93 = arith.constant 2.560000e+02 : f32
    %div3A_94 = vector.broadcast %div3A_93 : f32 to vector<1024x1xf32>
    %div3A_95 = arith.divf %broadcast_in_dim3A_92, %div3A_94 : vector<1024x1xf32>
    %sub3A_96 = vector.broadcast %div3A_87 : vector<1024x1xf32> to vector<1024x256xf32>
    %sub3A_97 = arith.subf %add3A_83, %sub3A_96 : vector<1024x256xf32>
    %add3A_98 = arith.constant 9.99999974E-6 : f32
    %add3A_99 = vector.broadcast %add3A_98 : f32 to vector<1024x1xf32>
    %add3A_100 = arith.addf %div3A_95, %add3A_99 : vector<1024x1xf32>
    %rsqrt3A = math.rsqrt %add3A_100 : vector<1024x1xf32>
    %mul3A_101 = vector.broadcast %rsqrt3A : vector<1024x1xf32> to vector<1024x256xf32>
    %mul3A_102 = arith.mulf %sub3A_97, %mul3A_101 : vector<1024x256xf32>
    %get3A_103 = arith.constant 0 : index
    %get3A_104 = arith.constant 0 : index
    %get3A_105 = vector.load %arg14[%get3A_103, %get3A_104] : memref<1x256xf32, #tpu.memory_space<vmem>>, vector<1x256xf32>
    %mul3A_106 = vector.broadcast %get3A_105 : vector<1x256xf32> to vector<1024x256xf32>
    %mul3A_107 = arith.mulf %mul3A_102, %mul3A_106 : vector<1024x256xf32>
    %get3A_108 = arith.constant 0 : index
    %get3A_109 = arith.constant 0 : index
    %get3A_110 = vector.load %arg15[%get3A_108, %get3A_109] : memref<1x256xf32, #tpu.memory_space<vmem>>, vector<1x256xf32>
    %add3A_111 = vector.broadcast %get3A_110 : vector<1x256xf32> to vector<1024x256xf32>
    %add3A_112 = arith.addf %mul3A_107, %add3A_111 : vector<1024x256xf32>
    %swap3A = arith.constant 0 : index
    %swap3A_113 = arith.constant 0 : index
    %swap3A_114 = vector.load %arg16[%swap3A, %swap3A_113] : memref<1024x256xf32, #tpu.memory_space<vmem>>, vector<1024x256xf32>
    tpu.vector_store %arg16[%swap3A, %swap3A_113], %add3A_112 {strides = array<i32>} : memref<1024x256xf32, #tpu.memory_space<vmem>>, vector<1024x256xf32>,
    %mul3A_115 = arith.constant 1024 : i32
    %mul3A_116 = arith.muli %arg0, %mul3A_115 : i32
    %iota3A = tpu.iota {dimensions = array<i32: 0>} : vector<1024x1xi32>
    %add3A_117 = vector.broadcast %mul3A_116 : i32 to vector<1024x1xi32>
    %add3A_118 = arith.addi %add3A_117, %iota3A : vector<1024x1xi32>
    %lt3A = arith.constant 10000 : i32
    %lt3A_119 = vector.broadcast %lt3A : i32 to vector<1024x1xi32>
    %lt3A_120 = arith.cmpi slt, %add3A_118, %lt3A_119 : vector<1024x1xi32>
    %convert_element_type3A_121 = arith.truncf %add3A_112 : vector<1024x256xf32> to vector<1024x256xbf16>
    %get3A_122 = arith.constant 0 : index
    %get3A_123 = arith.constant 0 : index
    %get3A_124 = vector.load %arg12[%get3A_122, %get3A_123] : memref<256x768xf32, #tpu.memory_space<vmem>>, vector<256x768xf32>
    %convert_element_type3A_125 = arith.truncf %get3A_124 : vector<256x768xf32> to vector<256x768xbf16>
    %dot_general3A_126 = arith.constant dense<0.000000e+00> : vector<1024x768xf32>
    %dot_general3A_127 = tpu.matmul %convert_element_type3A_121, %convert_element_type3A_125, %dot_general3A_126 {dimension_numbers = #tpu.dot_dimension_numbers<[1], [0], [0], [1], [0, 0, 1, 1], [], []>, transpose_lhs_hint = false} : vector<1024x256xbf16>, vector<256x768xbf16>, vector<1024x768xf32> -> vector<1024x768xf32>
    %get3A_128 = arith.constant 0 : index
    %get3A_129 = arith.constant 0 : index
    %get3A_130 = vector.load %arg13[%get3A_128, %get3A_129] : memref<1x768xf32, #tpu.memory_space<vmem>>, vector<1x768xf32>
    %add3A_131 = vector.broadcast %get3A_130 : vector<1x768xf32> to vector<1024x768xf32>
    %add3A_132 = arith.addf %dot_general3A_127, %add3A_131 : vector<1024x768xf32>
    %jit3A_133 = arith.constant 0.000000e+00 : f32
    %broadcast_in_dim3A_134 = vector.shape_cast %lt3A_120 : vector<1024x1xi1> to vector<1024x1xi1>
    %broadcast_in_dim3A_135 = vector.broadcast %broadcast_in_dim3A_134 : vector<1024x1xi1> to vector<1024x768xi1>
    %broadcast_in_dim3A_136 = vector.broadcast %jit3A_133 : f32 to vector<1024x768xf32>
    %select_n3A = arith.select %broadcast_in_dim3A_135, %add3A_132, %broadcast_in_dim3A_136 : vector<1024x768xi1>, vector<1024x768xf32>
    %convert_element_type3A_137 = arith.truncf %select_n3A : vector<1024x768xf32> to vector<1024x768xbf16>
    %jit3A_138 = arith.constant 1.000000e+00 : f32
    %jit3A_139 = arith.constant 0.000000e+00 : f32
    %broadcast_in_dim3A_140 = vector.broadcast %jit3A_138 : f32 to vector<1024x1xf32>
    %broadcast_in_dim3A_141 = vector.broadcast %jit3A_139 : f32 to vector<1024x1xf32>
    %select_n3A_142 = arith.select %lt3A_120, %broadcast_in_dim3A_140, %broadcast_in_dim3A_141 : vector<1024x1xi1>, vector<1024x1xf32>
    %broadcast_in_dim3A_143 = arith.constant 0.000000e+00 : f32
    %broadcast_in_dim3A_144 = vector.broadcast %broadcast_in_dim3A_143 : f32 to vector<1024x63xf32>
    %slice3A_145 = vector.extract_strided_slice %select_n3A {offsets = [0, 0], sizes = [1024, 64], strides = [1, 1]} : vector<1024x768xf32> to vector<1024x64xf32>
    %mul3A_146 = arith.constant 1.250000e-01 : f32
    %mul3A_147 = vector.broadcast %mul3A_146 : f32 to vector<1024x64xf32>
    %mul3A_148 = arith.mulf %slice3A_145, %mul3A_147 : vector<1024x64xf32>
    %convert_element_type3A_149 = arith.truncf %mul3A_148 : vector<1024x64xf32> to vector<1024x64xbf16>
    %swap3A_150 = arith.constant 0 : index
    %swap3A_151 = arith.constant 0 : index
    %swap3A_152 = arith.constant 0 : index
    %swap3A_153 = vector.load %arg17[%swap3A_150, %swap3A_151, %swap3A_152] : memref<4x1024x64xbf16, #tpu.memory_space<vmem>>, vector<1x1024x64xbf16>
    %swap3A_154 = vector.shape_cast %swap3A_153 : vector<1x1024x64xbf16> to vector<1024x64xbf16>
    %swap3A_155 = vector.shape_cast %convert_element_type3A_149 : vector<1024x64xbf16> to vector<1x1024x64xbf16>
    tpu.vector_store %arg17[%swap3A_150, %swap3A_151, %swap3A_152], %swap3A_155 {strides = array<i32>} : memref<4x1024x64xbf16, #tpu.memory_space<vmem>>, vector<1x1024x64xbf16>,
    %slice3A_156 = vector.extract_strided_slice %convert_element_type3A_137 {offsets = [0, 256], sizes = [1024, 64], strides = [1, 1]} : vector<1024x768xbf16> to vector<1024x64xbf16>
    %swap3A_157 = arith.constant 0 : index
    %swap3A_158 = arith.constant 0 : index
    %swap3A_159 = arith.constant 0 : index
    %swap3A_160 = vector.load %arg18[%swap3A_157, %swap3A_158, %swap3A_159] : memref<4x1024x64xbf16, #tpu.memory_space<vmem>>, vector<1x1024x64xbf16>
    %swap3A_161 = vector.shape_cast %swap3A_160 : vector<1x1024x64xbf16> to vector<1024x64xbf16>
    %swap3A_162 = vector.shape_cast %slice3A_156 : vector<1024x64xbf16> to vector<1x1024x64xbf16>
    tpu.vector_store %arg18[%swap3A_157, %swap3A_158, %swap3A_159], %swap3A_162 {strides = array<i32>} : memref<4x1024x64xbf16, #tpu.memory_space<vmem>>, vector<1x1024x64xbf16>,
    %slice3A_163 = vector.extract_strided_slice %select_n3A {offsets = [0, 512], sizes = [1024, 64], strides = [1, 1]} : vector<1024x768xf32> to vector<1024x64xf32>
    %concatenate3A_164 = tpu.concatenate %slice3A_163, %select_n3A_142, %broadcast_in_dim3A_144 in 1 : vector<1024x64xf32>, vector<1024x1xf32>, vector<1024x63xf32> -> vector<1024x128xf32>
    %convert_element_type3A_165 = arith.truncf %concatenate3A_164 : vector<1024x128xf32> to vector<1024x128xbf16>
    %swap3A_166 = arith.constant 0 : index
    %swap3A_167 = arith.constant 0 : index
    %swap3A_168 = arith.constant 0 : index
    %swap3A_169 = vector.load %arg19[%swap3A_166, %swap3A_167, %swap3A_168] : memref<4x1024x128xbf16, #tpu.memory_space<vmem>>, vector<1x1024x128xbf16>
    %swap3A_170 = vector.shape_cast %swap3A_169 : vector<1x1024x128xbf16> to vector<1024x128xbf16>
    %swap3A_171 = vector.shape_cast %convert_element_type3A_165 : vector<1024x128xbf16> to vector<1x1024x128xbf16>
    tpu.vector_store %arg19[%swap3A_166, %swap3A_167, %swap3A_168], %swap3A_171 {strides = array<i32>} : memref<4x1024x128xbf16, #tpu.memory_space<vmem>>, vector<1x1024x128xbf16>,
    %slice3A_172 = vector.extract_strided_slice %select_n3A {offsets = [0, 64], sizes = [1024, 64], strides = [1, 1]} : vector<1024x768xf32> to vector<1024x64xf32>
    %mul3A_173 = arith.constant 1.250000e-01 : f32
    %mul3A_174 = vector.broadcast %mul3A_173 : f32 to vector<1024x64xf32>
    %mul3A_175 = arith.mulf %slice3A_172, %mul3A_174 : vector<1024x64xf32>
    %convert_element_type3A_176 = arith.truncf %mul3A_175 : vector<1024x64xf32> to vector<1024x64xbf16>
    %swap3A_177 = arith.constant 1 : index
    %swap3A_178 = arith.constant 0 : index
    %swap3A_179 = arith.constant 0 : index
    %swap3A_180 = vector.load %arg17[%swap3A_177, %swap3A_178, %swap3A_179] : memref<4x1024x64xbf16, #tpu.memory_space<vmem>>, vector<1x1024x64xbf16>
    %swap3A_181 = vector.shape_cast %swap3A_180 : vector<1x1024x64xbf16> to vector<1024x64xbf16>
    %swap3A_182 = vector.shape_cast %convert_element_type3A_176 : vector<1024x64xbf16> to vector<1x1024x64xbf16>
    tpu.vector_store %arg17[%swap3A_177, %swap3A_178, %swap3A_179], %swap3A_182 {strides = array<i32>} : memref<4x1024x64xbf16, #tpu.memory_space<vmem>>, vector<1x1024x64xbf16>,
    %slice3A_183 = vector.extract_strided_slice %convert_element_type3A_137 {offsets = [0, 320], sizes = [1024, 64], strides = [1, 1]} : vector<1024x768xbf16> to vector<1024x64xbf16>
    %swap3A_184 = arith.constant 1 : index
    %swap3A_185 = arith.constant 0 : index
    %swap3A_186 = arith.constant 0 : index
    %swap3A_187 = vector.load %arg18[%swap3A_184, %swap3A_185, %swap3A_186] : memref<4x1024x64xbf16, #tpu.memory_space<vmem>>, vector<1x1024x64xbf16>
    %swap3A_188 = vector.shape_cast %swap3A_187 : vector<1x1024x64xbf16> to vector<1024x64xbf16>
    %swap3A_189 = vector.shape_cast %slice3A_183 : vector<1024x64xbf16> to vector<1x1024x64xbf16>
    tpu.vector_store %arg18[%swap3A_184, %swap3A_185, %swap3A_186], %swap3A_189 {strides = array<i32>} : memref<4x1024x64xbf16, #tpu.memory_space<vmem>>, vector<1x1024x64xbf16>,
    %slice3A_190 = vector.extract_strided_slice %select_n3A {offsets = [0, 576], sizes = [1024, 64], strides = [1, 1]} : vector<1024x768xf32> to vector<1024x64xf32>
    %concatenate3A_191 = tpu.concatenate %slice3A_190, %select_n3A_142, %broadcast_in_dim3A_144 in 1 : vector<1024x64xf32>, vector<1024x1xf32>, vector<1024x63xf32> -> vector<1024x128xf32>
    %convert_element_type3A_192 = arith.truncf %concatenate3A_191 : vector<1024x128xf32> to vector<1024x128xbf16>
    %swap3A_193 = arith.constant 1 : index
    %swap3A_194 = arith.constant 0 : index
    %swap3A_195 = arith.constant 0 : index
    %swap3A_196 = vector.load %arg19[%swap3A_193, %swap3A_194, %swap3A_195] : memref<4x1024x128xbf16, #tpu.memory_space<vmem>>, vector<1x1024x128xbf16>
    %swap3A_197 = vector.shape_cast %swap3A_196 : vector<1x1024x128xbf16> to vector<1024x128xbf16>
    %swap3A_198 = vector.shape_cast %convert_element_type3A_192 : vector<1024x128xbf16> to vector<1x1024x128xbf16>
    tpu.vector_store %arg19[%swap3A_193, %swap3A_194, %swap3A_195], %swap3A_198 {strides = array<i32>} : memref<4x1024x128xbf16, #tpu.memory_space<vmem>>, vector<1x1024x128xbf16>,
    %slice3A_199 = vector.extract_strided_slice %select_n3A {offsets = [0, 128], sizes = [1024, 64], strides = [1, 1]} : vector<1024x768xf32> to vector<1024x64xf32>
    %mul3A_200 = arith.constant 1.250000e-01 : f32
    %mul3A_201 = vector.broadcast %mul3A_200 : f32 to vector<1024x64xf32>
    %mul3A_202 = arith.mulf %slice3A_199, %mul3A_201 : vector<1024x64xf32>
    %convert_element_type3A_203 = arith.truncf %mul3A_202 : vector<1024x64xf32> to vector<1024x64xbf16>
    %swap3A_204 = arith.constant 2 : index
    %swap3A_205 = arith.constant 0 : index
    %swap3A_206 = arith.constant 0 : index
    %swap3A_207 = vector.load %arg17[%swap3A_204, %swap3A_205, %swap3A_206] : memref<4x1024x64xbf16, #tpu.memory_space<vmem>>, vector<1x1024x64xbf16>
    %swap3A_208 = vector.shape_cast %swap3A_207 : vector<1x1024x64xbf16> to vector<1024x64xbf16>
    %swap3A_209 = vector.shape_cast %convert_element_type3A_203 : vector<1024x64xbf16> to vector<1x1024x64xbf16>
    tpu.vector_store %arg17[%swap3A_204, %swap3A_205, %swap3A_206], %swap3A_209 {strides = array<i32>} : memref<4x1024x64xbf16, #tpu.memory_space<vmem>>, vector<1x1024x64xbf16>,
    %slice3A_210 = vector.extract_strided_slice %convert_element_type3A_137 {offsets = [0, 384], sizes = [1024, 64], strides = [1, 1]} : vector<1024x768xbf16> to vector<1024x64xbf16>
    %swap3A_211 = arith.constant 2 : index
    %swap3A_212 = arith.constant 0 : index
    %swap3A_213 = arith.constant 0 : index
    %swap3A_214 = vector.load %arg18[%swap3A_211, %swap3A_212, %swap3A_213] : memref<4x1024x64xbf16, #tpu.memory_space<vmem>>, vector<1x1024x64xbf16>
    %swap3A_215 = vector.shape_cast %swap3A_214 : vector<1x1024x64xbf16> to vector<1024x64xbf16>
    %swap3A_216 = vector.shape_cast %slice3A_210 : vector<1024x64xbf16> to vector<1x1024x64xbf16>
    tpu.vector_store %arg18[%swap3A_211, %swap3A_212, %swap3A_213], %swap3A_216 {strides = array<i32>} : memref<4x1024x64xbf16, #tpu.memory_space<vmem>>, vector<1x1024x64xbf16>,
    %slice3A_217 = vector.extract_strided_slice %select_n3A {offsets = [0, 640], sizes = [1024, 64], strides = [1, 1]} : vector<1024x768xf32> to vector<1024x64xf32>
    %concatenate3A_218 = tpu.concatenate %slice3A_217, %select_n3A_142, %broadcast_in_dim3A_144 in 1 : vector<1024x64xf32>, vector<1024x1xf32>, vector<1024x63xf32> -> vector<1024x128xf32>
    %convert_element_type3A_219 = arith.truncf %concatenate3A_218 : vector<1024x128xf32> to vector<1024x128xbf16>
    %swap3A_220 = arith.constant 2 : index
    %swap3A_221 = arith.constant 0 : index
    %swap3A_222 = arith.constant 0 : index
    %swap3A_223 = vector.load %arg19[%swap3A_220, %swap3A_221, %swap3A_222] : memref<4x1024x128xbf16, #tpu.memory_space<vmem>>, vector<1x1024x128xbf16>
    %swap3A_224 = vector.shape_cast %swap3A_223 : vector<1x1024x128xbf16> to vector<1024x128xbf16>
    %swap3A_225 = vector.shape_cast %convert_element_type3A_219 : vector<1024x128xbf16> to vector<1x1024x128xbf16>
    tpu.vector_store %arg19[%swap3A_220, %swap3A_221, %swap3A_222], %swap3A_225 {strides = array<i32>} : memref<4x1024x128xbf16, #tpu.memory_space<vmem>>, vector<1x1024x128xbf16>,
    %slice3A_226 = vector.extract_strided_slice %select_n3A {offsets = [0, 192], sizes = [1024, 64], strides = [1, 1]} : vector<1024x768xf32> to vector<1024x64xf32>
    %mul3A_227 = arith.constant 1.250000e-01 : f32
    %mul3A_228 = vector.broadcast %mul3A_227 : f32 to vector<1024x64xf32>
    %mul3A_229 = arith.mulf %slice3A_226, %mul3A_228 : vector<1024x64xf32>
    %convert_element_type3A_230 = arith.truncf %mul3A_229 : vector<1024x64xf32> to vector<1024x64xbf16>
    %swap3A_231 = arith.constant 3 : index
    %swap3A_232 = arith.constant 0 : index
    %swap3A_233 = arith.constant 0 : index
    %swap3A_234 = vector.load %arg17[%swap3A_231, %swap3A_232, %swap3A_233] : memref<4x1024x64xbf16, #tpu.memory_space<vmem>>, vector<1x1024x64xbf16>
    %swap3A_235 = vector.shape_cast %swap3A_234 : vector<1x1024x64xbf16> to vector<1024x64xbf16>
    %swap3A_236 = vector.shape_cast %convert_element_type3A_230 : vector<1024x64xbf16> to vector<1x1024x64xbf16>
    tpu.vector_store %arg17[%swap3A_231, %swap3A_232, %swap3A_233], %swap3A_236 {strides = array<i32>} : memref<4x1024x64xbf16, #tpu.memory_space<vmem>>, vector<1x1024x64xbf16>,
    %slice3A_237 = vector.extract_strided_slice %convert_element_type3A_137 {offsets = [0, 448], sizes = [1024, 64], strides = [1, 1]} : vector<1024x768xbf16> to vector<1024x64xbf16>
    %swap3A_238 = arith.constant 3 : index
    %swap3A_239 = arith.constant 0 : index
    %swap3A_240 = arith.constant 0 : index
    %swap3A_241 = vector.load %arg18[%swap3A_238, %swap3A_239, %swap3A_240] : memref<4x1024x64xbf16, #tpu.memory_space<vmem>>, vector<1x1024x64xbf16>
    %swap3A_242 = vector.shape_cast %swap3A_241 : vector<1x1024x64xbf16> to vector<1024x64xbf16>
    %swap3A_243 = vector.shape_cast %slice3A_237 : vector<1024x64xbf16> to vector<1x1024x64xbf16>
    tpu.vector_store %arg18[%swap3A_238, %swap3A_239, %swap3A_240], %swap3A_243 {strides = array<i32>} : memref<4x1024x64xbf16, #tpu.memory_space<vmem>>, vector<1x1024x64xbf16>,
    %slice3A_244 = vector.extract_strided_slice %select_n3A {offsets = [0, 704], sizes = [1024, 64], strides = [1, 1]} : vector<1024x768xf32> to vector<1024x64xf32>
    %concatenate3A_245 = tpu.concatenate %slice3A_244, %select_n3A_142, %broadcast_in_dim3A_144 in 1 : vector<1024x64xf32>, vector<1024x1xf32>, vector<1024x63xf32> -> vector<1024x128xf32>
    %convert_element_type3A_246 = arith.truncf %concatenate3A_245 : vector<1024x128xf32> to vector<1024x128xbf16>
    %swap3A_247 = arith.constant 3 : index
    %swap3A_248 = arith.constant 0 : index
    %swap3A_249 = arith.constant 0 : index
    %swap3A_250 = vector.load %arg19[%swap3A_247, %swap3A_248, %swap3A_249] : memref<4x1024x128xbf16, #tpu.memory_space<vmem>>, vector<1x1024x128xbf16>
    %swap3A_251 = vector.shape_cast %swap3A_250 : vector<1x1024x128xbf16> to vector<1024x128xbf16>
    %swap3A_252 = vector.shape_cast %convert_element_type3A_246 : vector<1024x128xbf16> to vector<1x1024x128xbf16>
    tpu.vector_store %arg19[%swap3A_247, %swap3A_248, %swap3A_249], %swap3A_252 {strides = array<i32>} : memref<4x1024x128xbf16, #tpu.memory_space<vmem>>, vector<1x1024x128xbf16>,
    return
  }
  func.func @transform_0(%arg0: i32) -> (i32, i32) {
    %c0_i32 = arith.constant 0 : i32
    %c0_i32_0 = arith.constant 0 : i32
    return %arg0, %c0_i32 : i32, i32
  }
  func.func @transform_1(%arg0: i32) -> (i32, i32) {
    %c0_i32 = arith.constant 0 : i32
    %c0_i32_0 = arith.constant 0 : i32
    return %arg0, %c0_i32 : i32, i32
  }
  func.func @transform_2(%arg0: i32) -> (i32, i32, i32) {
    %c0_i32 = arith.constant 0 : i32
    %c0_i32_0 = arith.constant 0 : i32
    %c0_i32_1 = arith.constant 0 : i32
    return %c0_i32, %arg0, %c0_i32_0 : i32, i32, i32
  }
  func.func @transform_3(%arg0: i32) -> (i32, i32, i32) {
    %c0_i32 = arith.constant 0 : i32
    %c0_i32_0 = arith.constant 0 : i32
    %c0_i32_1 = arith.constant 0 : i32
    return %c0_i32, %arg0, %c0_i32_0 : i32, i32, i32
  }
  func.func @transform_4(%arg0: i32) -> (i32, i32) {
    %c0_i32 = arith.constant 0 : i32
    %c0_i32_0 = arith.constant 0 : i32
    %c0_i32_1 = arith.constant 0 : i32
    return %c0_i32, %c0_i32_0 : i32, i32
  }
  func.func @transform_5(%arg0: i32) -> (i32, i32) {
    %c0_i32 = arith.constant 0 : i32
    %c0_i32_0 = arith.constant 0 : i32
    %c0_i32_1 = arith.constant 0 : i32
    return %c0_i32, %c0_i32_0 : i32, i32
  }
  func.func @transform_6(%arg0: i32) -> (i32, i32) {
    %c0_i32 = arith.constant 0 : i32
    %c0_i32_0 = arith.constant 0 : i32
    %c0_i32_1 = arith.constant 0 : i32
    return %c0_i32, %c0_i32_0 : i32, i32
  }
  func.func @transform_7(%arg0: i32) -> (i32, i32) {
    %c0_i32 = arith.constant 0 : i32
    %c0_i32_0 = arith.constant 0 : i32
    %c0_i32_1 = arith.constant 0 : i32
    return %c0_i32, %c0_i32_0 : i32, i32
  }
  func.func @transform_8(%arg0: i32) -> (i32, i32) {
    %c0_i32 = arith.constant 0 : i32
    %c0_i32_0 = arith.constant 0 : i32
    %c0_i32_1 = arith.constant 0 : i32
    return %c0_i32, %c0_i32_0 : i32, i32
  }
  func.func @transform_9(%arg0: i32) -> (i32, i32) {
    %c0_i32 = arith.constant 0 : i32
    %c0_i32_0 = arith.constant 0 : i32
    %c0_i32_1 = arith.constant 0 : i32
    return %c0_i32, %c0_i32_0 : i32, i32
  }
  func.func @transform_10(%arg0: i32) -> (i32, i32) {
    %c0_i32 = arith.constant 0 : i32
    %c0_i32_0 = arith.constant 0 : i32
    %c0_i32_1 = arith.constant 0 : i32
    return %c0_i32, %c0_i32_0 : i32, i32
  }
  func.func @transform_11(%arg0: i32) -> (i32, i32) {
    %c0_i32 = arith.constant 0 : i32
    %c0_i32_0 = arith.constant 0 : i32
    %c0_i32_1 = arith.constant 0 : i32
    return %c0_i32, %c0_i32_0 : i32, i32
  }
  func.func @transform_12(%arg0: i32) -> (i32, i32) {
    %c0_i32 = arith.constant 0 : i32
    %c0_i32_0 = arith.constant 0 : i32
    %c0_i32_1 = arith.constant 0 : i32
    return %c0_i32, %c0_i32_0 : i32, i32
  }
  func.func @transform_13(%arg0: i32) -> (i32, i32) {
    %c0_i32 = arith.constant 0 : i32
    %c0_i32_0 = arith.constant 0 : i32
    %c0_i32_1 = arith.constant 0 : i32
    return %c0_i32, %c0_i32_0 : i32, i32
  }
  func.func @transform_14(%arg0: i32) -> (i32, i32) {
    %c0_i32 = arith.constant 0 : i32
    %c0_i32_0 = arith.constant 0 : i32
    %c0_i32_1 = arith.constant 0 : i32
    return %c0_i32, %c0_i32_0 : i32, i32
  }
  func.func @transform_15(%arg0: i32) -> (i32, i32) {
    %c0_i32 = arith.constant 0 : i32
    %c0_i32_0 = arith.constant 0 : i32
    return %arg0, %c0_i32 : i32, i32
  }
  func.func @transform_16(%arg0: i32) -> (i32, i32, i32) {
    %c0_i32 = arith.constant 0 : i32
    %c0_i32_0 = arith.constant 0 : i32
    %c0_i32_1 = arith.constant 0 : i32
    return %c0_i32, %arg0, %c0_i32_0 : i32, i32, i32
  }
  func.func @transform_17(%arg0: i32) -> (i32, i32, i32) {
    %c0_i32 = arith.constant 0 : i32
    %c0_i32_0 = arith.constant 0 : i32
    %c0_i32_1 = arith.constant 0 : i32
    return %c0_i32, %arg0, %c0_i32_0 : i32, i32, i32
  }
  func.func @transform_18(%arg0: i32) -> (i32, i32, i32) {
    %c0_i32 = arith.constant 0 : i32
    %c0_i32_0 = arith.constant 0 : i32
    %c0_i32_1 = arith.constant 0 : i32
    return %c0_i32, %arg0, %c0_i32_0 : i32, i32, i32
  }
}

module attributes {stable_mosaic.version = 14 : i64} {
  func.func @_attn_body(%arg0: i32, %arg1: i32, %arg2: memref<1x512x64xbf16, #tpu.memory_space<vmem>>, %arg3: memref<1x10240x64xbf16, #tpu.memory_space<vmem>>, %arg4: memref<1x10240x128xbf16, #tpu.memory_space<vmem>>, %arg5: memref<1x512x64xbf16, #tpu.memory_space<vmem>>) attributes {dimension_semantics = [#tpu.dimension_semantics<arbitrary>, #tpu.dimension_semantics<arbitrary>], iteration_bounds = array<i64: 4, 20>, scalar_prefetch = 0 : i64, scratch_operands = 0 : i64, tpu.core_type = #tpu.core_type<tc>, window_params = [{transform_indices = @transform_0, window_bounds = array<i64: 1, 512, 64>}, {transform_indices = @transform_1, window_bounds = array<i64: 1, 10240, 64>}, {transform_indices = @transform_2, window_bounds = array<i64: 1, 10240, 128>}, {transform_indices = @transform_3, window_bounds = array<i64: 1, 512, 64>}]} {
    %get3A = arith.constant 0 : index
    %get3A_0 = arith.constant 0 : index
    %get3A_1 = arith.constant 0 : index
    %get3A_2 = vector.load %arg2[%get3A, %get3A_0, %get3A_1] : memref<1x512x64xbf16, #tpu.memory_space<vmem>>, vector<1x512x64xbf16>
    %get3A_3 = vector.shape_cast %get3A_2 : vector<1x512x64xbf16> to vector<512x64xbf16>
    %get3A_4 = arith.constant 0 : index
    %get3A_5 = arith.constant 0 : index
    %get3A_6 = arith.constant 0 : index
    %get3A_7 = vector.load %arg3[%get3A_4, %get3A_5, %get3A_6] : memref<1x10240x64xbf16, #tpu.memory_space<vmem>>, vector<1x10240x64xbf16>
    %get3A_8 = vector.shape_cast %get3A_7 : vector<1x10240x64xbf16> to vector<10240x64xbf16>
    %dot_general3A = arith.constant dense<0.000000e+00> : vector<512x10240xf32>
    %dot_general3A_9 = tpu.matmul %get3A_3, %get3A_8, %dot_general3A {dimension_numbers = #tpu.dot_dimension_numbers<[1], [1], [0], [0], [0, 0, 1, 0], [], []>, transpose_lhs_hint = false} : vector<512x64xbf16>, vector<10240x64xbf16>, vector<512x10240xf32> -> vector<512x10240xf32>
    %exp3A = math.exp %dot_general3A_9 : vector<512x10240xf32>
    %convert_element_type3A = arith.truncf %exp3A : vector<512x10240xf32> to vector<512x10240xbf16>
    %get3A_10 = arith.constant 0 : index
    %get3A_11 = arith.constant 0 : index
    %get3A_12 = arith.constant 0 : index
    %get3A_13 = vector.load %arg4[%get3A_10, %get3A_11, %get3A_12] : memref<1x10240x128xbf16, #tpu.memory_space<vmem>>, vector<1x10240x128xbf16>
    %get3A_14 = vector.shape_cast %get3A_13 : vector<1x10240x128xbf16> to vector<10240x128xbf16>
    %dot_general3A_15 = arith.constant dense<0.000000e+00> : vector<512x128xf32>
    %dot_general3A_16 = tpu.matmul %convert_element_type3A, %get3A_14, %dot_general3A_15 {dimension_numbers = #tpu.dot_dimension_numbers<[1], [0], [0], [1], [0, 0, 1, 1], [], []>, transpose_lhs_hint = false} : vector<512x10240xbf16>, vector<10240x128xbf16>, vector<512x128xf32> -> vector<512x128xf32>
    %slice3A = vector.extract_strided_slice %dot_general3A_16 {offsets = [0, 0], sizes = [512, 64], strides = [1, 1]} : vector<512x128xf32> to vector<512x64xf32>
    %slice3A_17 = vector.extract_strided_slice %dot_general3A_16 {offsets = [0, 64], sizes = [512, 1], strides = [1, 1]} : vector<512x128xf32> to vector<512x1xf32>
    %div3A = vector.broadcast %slice3A_17 : vector<512x1xf32> to vector<512x64xf32>
    %div3A_18 = arith.divf %slice3A, %div3A : vector<512x64xf32>
    %convert_element_type3A_19 = arith.truncf %div3A_18 : vector<512x64xf32> to vector<512x64xbf16>
    %swap3A = arith.constant 0 : index
    %swap3A_20 = arith.constant 0 : index
    %swap3A_21 = arith.constant 0 : index
    %swap3A_22 = vector.load %arg5[%swap3A, %swap3A_20, %swap3A_21] : memref<1x512x64xbf16, #tpu.memory_space<vmem>>, vector<1x512x64xbf16>
    %swap3A_23 = vector.shape_cast %swap3A_22 : vector<1x512x64xbf16> to vector<512x64xbf16>
    %swap3A_24 = vector.shape_cast %convert_element_type3A_19 : vector<512x64xbf16> to vector<1x512x64xbf16>
    tpu.vector_store %arg5[%swap3A, %swap3A_20, %swap3A_21], %swap3A_24 {strides = array<i32>} : memref<1x512x64xbf16, #tpu.memory_space<vmem>>, vector<1x512x64xbf16>,
    return
  }
  func.func @transform_0(%arg0: i32, %arg1: i32) -> (i32, i32, i32) {
    %c0_i32 = arith.constant 0 : i32
    %c0_i32_0 = arith.constant 0 : i32
    return %arg0, %arg1, %c0_i32 : i32, i32, i32
  }
  func.func @transform_1(%arg0: i32, %arg1: i32) -> (i32, i32, i32) {
    %c0_i32 = arith.constant 0 : i32
    %c0_i32_0 = arith.constant 0 : i32
    %c0_i32_1 = arith.constant 0 : i32
    return %arg0, %c0_i32, %c0_i32_0 : i32, i32, i32
  }
  func.func @transform_2(%arg0: i32, %arg1: i32) -> (i32, i32, i32) {
    %c0_i32 = arith.constant 0 : i32
    %c0_i32_0 = arith.constant 0 : i32
    %c0_i32_1 = arith.constant 0 : i32
    return %arg0, %c0_i32, %c0_i32_0 : i32, i32, i32
  }
  func.func @transform_3(%arg0: i32, %arg1: i32) -> (i32, i32, i32) {
    %c0_i32 = arith.constant 0 : i32
    %c0_i32_0 = arith.constant 0 : i32
    return %arg0, %arg1, %c0_i32 : i32, i32, i32
  }
}

module attributes {stable_mosaic.version = 14 : i64} {
  func.func @_post_body(%arg0: i32, %arg1: memref<4x400x64xbf16, #tpu.memory_space<vmem>>, %arg2: memref<400x256xf32, #tpu.memory_space<vmem>>, %arg3: memref<256x256xf32, #tpu.memory_space<vmem>>, %arg4: memref<1x256xf32, #tpu.memory_space<vmem>>, %arg5: memref<256x256xf32, #tpu.memory_space<vmem>>, %arg6: memref<1x256xf32, #tpu.memory_space<vmem>>, %arg7: memref<400x256xf32, #tpu.memory_space<vmem>>) attributes {dimension_semantics = [#tpu.dimension_semantics<arbitrary>], iteration_bounds = array<i64: 25>, scalar_prefetch = 0 : i64, scratch_operands = 0 : i64, tpu.core_type = #tpu.core_type<tc>, window_params = [{transform_indices = @transform_0, window_bounds = array<i64: 4, 400, 64>}, {transform_indices = @transform_1, window_bounds = array<i64: 400, 256>}, {pipeline_mode = #tpu.pipeline_mode<synchronous>, transform_indices = @transform_2, window_bounds = array<i64: 256, 256>}, {pipeline_mode = #tpu.pipeline_mode<synchronous>, transform_indices = @transform_3, window_bounds = array<i64: 1, 256>}, {pipeline_mode = #tpu.pipeline_mode<synchronous>, transform_indices = @transform_4, window_bounds = array<i64: 256, 256>}, {pipeline_mode = #tpu.pipeline_mode<synchronous>, transform_indices = @transform_5, window_bounds = array<i64: 1, 256>}, {transform_indices = @transform_6, window_bounds = array<i64: 400, 256>}]} {
    %get3A = arith.constant 0 : index
    %get3A_0 = arith.constant 0 : index
    %get3A_1 = arith.constant 0 : index
    %get3A_2 = vector.load %arg1[%get3A, %get3A_0, %get3A_1] : memref<4x400x64xbf16, #tpu.memory_space<vmem>>, vector<1x400x64xbf16>
    %get3A_3 = vector.shape_cast %get3A_2 : vector<1x400x64xbf16> to vector<400x64xbf16>
    %get3A_4 = arith.constant 1 : index
    %get3A_5 = arith.constant 0 : index
    %get3A_6 = arith.constant 0 : index
    %get3A_7 = vector.load %arg1[%get3A_4, %get3A_5, %get3A_6] : memref<4x400x64xbf16, #tpu.memory_space<vmem>>, vector<1x400x64xbf16>
    %get3A_8 = vector.shape_cast %get3A_7 : vector<1x400x64xbf16> to vector<400x64xbf16>
    %get3A_9 = arith.constant 2 : index
    %get3A_10 = arith.constant 0 : index
    %get3A_11 = arith.constant 0 : index
    %get3A_12 = vector.load %arg1[%get3A_9, %get3A_10, %get3A_11] : memref<4x400x64xbf16, #tpu.memory_space<vmem>>, vector<1x400x64xbf16>
    %get3A_13 = vector.shape_cast %get3A_12 : vector<1x400x64xbf16> to vector<400x64xbf16>
    %get3A_14 = arith.constant 3 : index
    %get3A_15 = arith.constant 0 : index
    %get3A_16 = arith.constant 0 : index
    %get3A_17 = vector.load %arg1[%get3A_14, %get3A_15, %get3A_16] : memref<4x400x64xbf16, #tpu.memory_space<vmem>>, vector<1x400x64xbf16>
    %get3A_18 = vector.shape_cast %get3A_17 : vector<1x400x64xbf16> to vector<400x64xbf16>
    %concatenate3A = tpu.concatenate %get3A_3, %get3A_8, %get3A_13, %get3A_18 in 1 : vector<400x64xbf16>, vector<400x64xbf16>, vector<400x64xbf16>, vector<400x64xbf16> -> vector<400x256xbf16>
    %get3A_19 = arith.constant 0 : index
    %get3A_20 = arith.constant 0 : index
    %get3A_21 = vector.load %arg3[%get3A_19, %get3A_20] : memref<256x256xf32, #tpu.memory_space<vmem>>, vector<256x256xf32>
    %convert_element_type3A = arith.truncf %get3A_21 : vector<256x256xf32> to vector<256x256xbf16>
    %dot_general3A = arith.constant dense<0.000000e+00> : vector<400x256xf32>
    %dot_general3A_22 = tpu.matmul %concatenate3A, %convert_element_type3A, %dot_general3A {dimension_numbers = #tpu.dot_dimension_numbers<[1], [0], [0], [1], [0, 0, 1, 1], [], []>, transpose_lhs_hint = false} : vector<400x256xbf16>, vector<256x256xbf16>, vector<400x256xf32> -> vector<400x256xf32>
    %get3A_23 = arith.constant 0 : index
    %get3A_24 = arith.constant 0 : index
    %get3A_25 = vector.load %arg4[%get3A_23, %get3A_24] : memref<1x256xf32, #tpu.memory_space<vmem>>, vector<1x256xf32>
    %add3A = vector.broadcast %get3A_25 : vector<1x256xf32> to vector<400x256xf32>
    %add3A_26 = arith.addf %dot_general3A_22, %add3A : vector<400x256xf32>
    %convert_element_type3A_27 = arith.truncf %add3A_26 : vector<400x256xf32> to vector<400x256xbf16>
    %get3A_28 = arith.constant 0 : index
    %get3A_29 = arith.constant 0 : index
    %get3A_30 = vector.load %arg5[%get3A_28, %get3A_29] : memref<256x256xf32, #tpu.memory_space<vmem>>, vector<256x256xf32>
    %convert_element_type3A_31 = arith.truncf %get3A_30 : vector<256x256xf32> to vector<256x256xbf16>
    %dot_general3A_32 = arith.constant dense<0.000000e+00> : vector<400x256xf32>
    %dot_general3A_33 = tpu.matmul %convert_element_type3A_27, %convert_element_type3A_31, %dot_general3A_32 {dimension_numbers = #tpu.dot_dimension_numbers<[1], [0], [0], [1], [0, 0, 1, 1], [], []>, transpose_lhs_hint = false} : vector<400x256xbf16>, vector<256x256xbf16>, vector<400x256xf32> -> vector<400x256xf32>
    %get3A_34 = arith.constant 0 : index
    %get3A_35 = arith.constant 0 : index
    %get3A_36 = vector.load %arg6[%get3A_34, %get3A_35] : memref<1x256xf32, #tpu.memory_space<vmem>>, vector<1x256xf32>
    %add3A_37 = vector.broadcast %get3A_36 : vector<1x256xf32> to vector<400x256xf32>
    %add3A_38 = arith.addf %dot_general3A_33, %add3A_37 : vector<400x256xf32>
    %max3A = arith.constant 0.000000e+00 : f32
    %max3A_39 = vector.broadcast %max3A : f32 to vector<400x256xf32>
    %max3A_40 = arith.maximumf %add3A_38, %max3A_39 : vector<400x256xf32>
    %get3A_41 = arith.constant 0 : index
    %get3A_42 = arith.constant 0 : index
    %get3A_43 = vector.load %arg2[%get3A_41, %get3A_42] : memref<400x256xf32, #tpu.memory_space<vmem>>, vector<400x256xf32>
    %add3A_44 = arith.addf %max3A_40, %get3A_43 : vector<400x256xf32>
    %swap3A = arith.constant 0 : index
    %swap3A_45 = arith.constant 0 : index
    %swap3A_46 = vector.load %arg7[%swap3A, %swap3A_45] : memref<400x256xf32, #tpu.memory_space<vmem>>, vector<400x256xf32>
    tpu.vector_store %arg7[%swap3A, %swap3A_45], %add3A_44 {strides = array<i32>} : memref<400x256xf32, #tpu.memory_space<vmem>>, vector<400x256xf32>,
    return
  }
  func.func @transform_0(%arg0: i32) -> (i32, i32, i32) {
    %c0_i32 = arith.constant 0 : i32
    %c0_i32_0 = arith.constant 0 : i32
    %c0_i32_1 = arith.constant 0 : i32
    return %c0_i32, %arg0, %c0_i32_0 : i32, i32, i32
  }
  func.func @transform_1(%arg0: i32) -> (i32, i32) {
    %c0_i32 = arith.constant 0 : i32
    %c0_i32_0 = arith.constant 0 : i32
    return %arg0, %c0_i32 : i32, i32
  }
  func.func @transform_2(%arg0: i32) -> (i32, i32) {
    %c0_i32 = arith.constant 0 : i32
    %c0_i32_0 = arith.constant 0 : i32
    %c0_i32_1 = arith.constant 0 : i32
    return %c0_i32, %c0_i32_0 : i32, i32
  }
  func.func @transform_3(%arg0: i32) -> (i32, i32) {
    %c0_i32 = arith.constant 0 : i32
    %c0_i32_0 = arith.constant 0 : i32
    %c0_i32_1 = arith.constant 0 : i32
    return %c0_i32, %c0_i32_0 : i32, i32
  }
  func.func @transform_4(%arg0: i32) -> (i32, i32) {
    %c0_i32 = arith.constant 0 : i32
    %c0_i32_0 = arith.constant 0 : i32
    %c0_i32_1 = arith.constant 0 : i32
    return %c0_i32, %c0_i32_0 : i32, i32
  }
  func.func @transform_5(%arg0: i32) -> (i32, i32) {
    %c0_i32 = arith.constant 0 : i32
    %c0_i32_0 = arith.constant 0 : i32
    %c0_i32_1 = arith.constant 0 : i32
    return %c0_i32, %c0_i32_0 : i32, i32
  }
  func.func @transform_6(%arg0: i32) -> (i32, i32) {
    %c0_i32 = arith.constant 0 : i32
    %c0_i32_0 = arith.constant 0 : i32
    return %arg0, %c0_i32 : i32, i32
  }
}

</mosaic_0001>

<sc_bundles>
// kernel: kernel.6.cloned.1.call-start
scs
__scs_entry_jumppad:
0x0: {  	(pc) =	sbr.rel $0x88, $3  }
0x1: {  	(tag) =	ssettag $0x0;
	lr =	simm.s32 $0x1  }
0x2: {  	[smem:$0x3F8E] =	sst lr;
	_ =	strace $0xD0000000  }
0x3: {  	_ = 	snop  }
0x4: {  	_ = 	snop  }
0x5: {  	_ = 	snop  }
0x6: {  	_ = 	snop  }
0x7: {  	_ = 	snop  }
__scs_overlays_trampoline_lowered:
0x8: {  	[smem:$0x3F9D] =	sst s0  }
0x9: {  	[smem:$0x3F9E] =	sst s1  }
0xa: {  	[smem:$0x3F9F] =	sst s2  }
0xb: {  	[smem:$0x3FA0] =	sst s3  }
0xc: {  	[smem:$0x3FA1] =	sst s4  }
0xd: {  	[smem:$0x3FA2] =	sst s5  }
0xe: {  	[smem:$0x3FA3] =	sst s6  }
0xf: {  	[smem:$0x3FA4] =	sst s7  }
0x10: {  	[smem:$0x3FA5] =	sst s8  }
0x11: {  	[smem:$0x3FA6] =	sst s9;
	s0 =	simm.s32 @!p0 $0x0  }
0x12: {  	s1 =	sld [smem:$0x3F8C];
	s0 =	simm.s32 @p0 $0x1  }
0x13: {  	[smem:$0x3FA7] =	sst s0;
	s0 =	simm.s32 @!p1 $0x0  }
0x14: {  	s2 =	sld [smem:$0x3F8B];
	s0 =	simm.s32 @p1 $0x1  }
0x15: {  	[smem:$0x3FA8] =	sst s0;
	s0 =	simm.s32 @!p2 $0x0  }
0x16: {  	s3 =	sld [smem:$0x3FDB];
	s0 =	simm.s32 @p2 $0x1  }
0x17: {  	s4 =	simm.s32 $0x1BF5;
	[smem:$0x3FAA] =	sst s0  }
0x18: {  	s0 =	sld [smem:$0x3F8D];
	_ =	swait.ge [sflag:s4], $0x0  }
0x19: {  	s7 =	sld [smem:$0x3F8E]  }
0x1a: {  	s8 =	sadd.s32 $0xFFFFE003, lr  }
0x1b: {  	s9 =	sadd.s32 $0xFFFFFEF7, lr;
	s5 =	simm.s32 $0xFFFFFFFF;
	p2 =	slt.u32 s8, $0xFFFFF086  }
0x1c: {  	p1 =	slt.u32 s9, $0xF7A;
	s5 =	simm.s32 @!p2 $0x0  }
0x1d: {  	s5 =	simm.s32 @p1 $0x1;
	p0 =	seq.s32 s7, s2  }
0x1e: {  	s7 =	smul.u32 @!p0 $0xF7A, s2;
	p2 =	seq.s32 @!p0 s5, $0x0  }
0x1f: {  	s9 =	smul.u32 $0xF7A, s1;
	s8 =	simm.s32 @!p0 $0x1BF5;
	p2 =	por !p2, p0  }
0x20: {  	[sflag:s8] =	ssyncset.s32 @!p0 $0xFFFFF086;
	s6 =	sadd.s32 @!p0 s3, s7;
	s7 =	simm.s32 @!p0 $0x108  }
0x21: {  	s3 =	sadd.s32 s3, s9;
	s6 =	sadd.s32 @!p0 $0x88, s6;
	s7 =	simm.s32 @p2 $0x1082  }
0x22: {  	[simem:s7], [sflag:s8] =	dma.local @!p0 [hbm:s6], $0xF7A  }
0x23: {  	s9 =	sor.u32 $0xD0000000, s2;
	s6 =	simm.s32 $0x108;
	_ =	swait.ge @!p0 [sflag:s8], $0x0  }
0x24: {  	s3 =	sadd.s32 $0x88, s3;
	s6 =	simm.s32 @!p1 $0x1082;
	[sflag:s4] =	ssyncset.s32 $0xFFFFF086  }
0x25: {  	[simem:s6], [sflag:s4] =	dma.local [hbm:s3], $0xF7A  }
0x26: {  	[smem:$0x3F8E] =	sst s1;
	(tag) =	ssettag s2;
	_ =	strace s9  }
0x27: {  	s1 =	sld [smem:$0x3F9E]  }
0x28: {  	s2 =	sld [smem:$0x3F9F]  }
0x29: {  	s4 =	sld [smem:$0x3FA1]  }
0x2a: {  	p0 =	seq.s32 s5, $0x0;
	s5 =	sld [smem:$0x3FA2]  }
0x2b: {  	s6 =	sld [smem:$0x3FA3]  }
0x2c: {  	s7 =	sld [smem:$0x3FA4]  }
0x2d: {  	s3 =	simm.s32 $0x108;
	s8 =	sld [smem:$0x3FA5]  }
0x2e: {  	s3 =	simm.s32 @!p0 $0x1082;
	s9 =	sld [smem:$0x3FA6]  }
0x2f: {  	lr =	sadd.s32 s0, s3;
	s0 =	sld [smem:$0x3F9D]  }
0x30: {  	s3 =	sld [smem:$0x3FA0]  }
0x31: {  	[smem:$0x3FA9] =	sst s10  }
0x32: {  	s10 =	sld [smem:$0x3FA7];
	_ =	sdelay $0x3  }
0x33: {  	p0 =	seq.s32 s10, $0x1;
	s10 =	sld [smem:$0x3FA9];
	_ =	sdelay $0x3  }
0x34: {  	[smem:$0x3FA9] =	sst s10  }
0x35: {  	s10 =	sld [smem:$0x3FA8];
	_ =	sdelay $0x3  }
0x36: {  	p1 =	seq.s32 s10, $0x1;
	s10 =	sld [smem:$0x3FA9];
	_ =	sdelay $0x3  }
0x37: {  	[smem:$0x3FA9] =	sst s10  }
0x38: {  	s10 =	sld [smem:$0x3FAA]  }
0x39: {  	_ = 	snop;
	(pc) =	sbr.ind lr, $3  }
0x3a: {  	_ = 	snop  }
0x3b: {  	_ = 	snop  }
0x3c: {  	p2 =	seq.s32 s10, $0x1;
	s10 =	sld [smem:$0x3FA9]  }
0x3d: {  	_ =	shalt  }
0x3e: {  	_ =	shalt  }
0x3f: {  	_ =	shalt  }
0x40: {  	_ =	shalt  }
0x41: {  	_ =	shalt  }
0x42: {  	_ =	shalt  }
0x43: {  	_ =	shalt  }
0x44: {  	_ =	shalt  }
0x45: {  	_ =	shalt  }
0x46: {  	_ =	shalt  }
0x47: {  	_ =	shalt  }
0x48: {  	_ =	shalt  }
0x49: {  	_ =	shalt  }
0x4a: {  	_ =	shalt  }
0x4b: {  	_ =	shalt  }
0x4c: {  	_ =	shalt  }
0x4d: {  	_ =	shalt  }
0x4e: {  	_ =	shalt  }
0x4f: {  	_ =	shalt  }
0x50: {  	_ =	shalt  }
0x51: {  	_ =	shalt  }
0x52: {  	_ =	shalt  }
0x53: {  	_ =	shalt  }
0x54: {  	_ =	shalt  }
0x55: {  	_ =	shalt  }
0x56: {  	_ =	shalt  }
0x57: {  	_ =	shalt  }
0x58: {  	_ =	shalt  }
0x59: {  	_ =	shalt  }
0x5a: {  	_ =	shalt  }
0x5b: {  	_ =	shalt  }
0x5c: {  	_ =	shalt  }
0x5d: {  	_ =	shalt  }
0x5e: {  	_ =	shalt  }
0x5f: {  	_ =	shalt  }
0x60: {  	_ =	shalt  }
0x61: {  	_ =	shalt  }
0x62: {  	_ =	shalt  }
0x63: {  	_ =	shalt  }
0x64: {  	_ =	shalt  }
0x65: {  	_ =	shalt  }
0x66: {  	_ =	shalt  }
0x67: {  	_ =	shalt  }
0x68: {  	_ =	shalt  }
0x69: {  	_ =	shalt  }
0x6a: {  	_ =	shalt  }
0x6b: {  	_ =	shalt  }
0x6c: {  	_ =	shalt  }
0x6d: {  	_ =	shalt  }
0x6e: {  	_ =	shalt  }
0x6f: {  	_ =	shalt  }
0x70: {  	_ =	shalt  }
0x71: {  	_ =	shalt  }
0x72: {  	_ =	shalt  }
0x73: {  	_ =	shalt  }
0x74: {  	_ =	shalt  }
0x75: {  	_ =	shalt  }
0x76: {  	_ =	shalt  }
0x77: {  	_ =	shalt  }
0x78: {  	_ =	shalt  }
0x79: {  	_ =	shalt  }
0x7a: {  	_ =	shalt  }
0x7b: {  	_ =	shalt  }
0x7c: {  	_ =	shalt  }
0x7d: {  	_ =	shalt  }
0x7e: {  	_ =	shalt  }
0x7f: {  	_ =	shalt  }
0x80: {  	_ =	shalt  }
0x81: {  	_ =	shalt  }
0x82: {  	_ =	shalt  }
0x83: {  	_ =	shalt  }
0x84: {  	_ =	shalt  }
0x85: {  	_ =	shalt  }
0x86: {  	_ =	shalt  }
0x87: {  	_ =	shalt  }
.Lfunc_end0:
.L_simem_size_0:
called_computation_lowered:
.L_overlay_start_0:
0x88: {  	s2 =	sld [smem:$0x3FD9]  }
0x89: {  	s3 =	sld [smem:$0x3FFE];
	_ =	sdelay $0x1  }
0x8a: {  	s1 =	srdreg.scid  }
0x8b: {  	s0 =	sand.u32 $0x1, s1  }
0x8c: {  	s17 =	sshll.u32 s0, $0xA;
	s2 =	sadd.s32 s3, s2  }
0x8d: {  	s2 =	sadd.s32 s2, s17  }
0x8e: {  	[smem:$0x3FB5] =	sst s2  }
0x8f: {  	_ = 	snop  }
0x90: {  	s2 =	sld [smem:$0x3FD0];
	(tm) =	ssettm $0x1  }
0x91: {  	s18 =	sld [smem:$0x3FFB];
	_ =	sdelay $0x3  }
0x92: {  	_ =	strace s18  }
0x93: {  	s3 =	sld [smem:$0x3FFC];
	_ =	sdelay $0x3  }
0x94: {  	_ =	strace s3  }
0x95: {  	s3 =	sld [smem:$0x3FFD];
	_ =	sdelay $0x3  }
0x96: {  	_ =	strace s3  }
0x97: {  	_ =	strace $0x8FFFFFFF  }
0x98: {  	s19 =	sld [smem:$0x3FDB];
	_ =	sdelay $0x1  }
0x99: {  	s4 =	simm.s32 $_scs_section_size  }
0x9a: {  	s5 =	simm.s32 $_size__tile_overlayer_lowered;
	s6 =	simm.s32 $_tile_overlayer_lowered  }
0x9b: {  	s22 =	simm.s32 $0x1BFF;
	s21 =	sshll.u32 s6, $0x1;
	s3 =	sadd.s32 s4, s19  }
0x9c: {  	s7 =	simm.s32 $0x0;
	s20 =	sshll.u32 s5, $0x1;
	s5 =	sadd.s32 s21, s3  }
0x9d: {  	[timem:s7], [sflag:s22] =	dma.local [hbm:s5], s20  }
0x9e: {  	_ =	swait.ge [sflag:s22], s20  }
0x9f: {  	s4 =	ssub.s32 $0x0, s20;
	[sflag:s22] =	ssyncset.done $0x0  }
0xa0: {  	[sflag:s22] =	ssyncadd.s32 s4;
	_ =	sdelay $0x1  }
0xa1: {  	s23 =	simm.s32 $0x1B8B  }
0xa2: {  	_ =	swait.ge [sflag:s23], $0x1  }
0xa3: {  	[sflag:s23] =	ssyncset.done $0x0  }
0xa4: {  	s25 =	simm.s32 $0x1B8E;
	s24 =	sld [smem:$0x3FFE];
	[sflag:s23] =	ssyncadd.s32 $0xFFFFFFFF  }
0xa5: {  	s26 =	simm.s32 $execute0_lowered;
	[smem:$0x3FD2] =	sst s25  }
0xa6: {  	s5 =	sshll.u32 s26, $0x1;
	_ =	strace $0x80000046;
	[dreg:$0x1] =	wrdreg $0xFFFFFFFF  }
0xa7: {  	s28 =	simm.s32 $_size_execute0_lowered;
	s3 =	sadd.s32 s3, s5;
	[dreg:$0x0] =	wrdreg $0x0  }
0xa8: {  	s5 =	sshll.u32 s28, $0x1;
	[dreg:$0x2] =	wrdreg s3  }
0xa9: {  	[dreg:$0x3] =	wrdreg s5  }
0xaa: {  	[dreg:$0x4] =	wrdreg $0xC0  }
0xab: {  	_ =	task [dreg:s7], $0x5FFFF  }
0xac: {  	[dreg:$0x1] =	wrdreg $0xFFFFFFFF  }
0xad: {  	[dreg:$0x0] =	wrdreg $0x60  }
0xae: {  	[dreg:$0x2] =	wrdreg s24  }
0xaf: {  	[dreg:$0x3] =	wrdreg s2  }
0xb0: {  	[dreg:$0x4] =	wrdreg $0x72000  }
0xb1: {  	[dreg:$0x5] =	wrdreg $0x112000  }
0xb2: {  	[dreg:$0x6] =	wrdreg $0x9  }
0xb3: {  	_ =	task.clear_ibuf [dreg:s7], $0x7FFFF;
	_ =	strace $0x90000046  }
0xb4: {  	s29 =	simm.s32 $0x9;
	_ =	strace $0x80000048  }
0xb5: {  	_ =	swait.ge [sflag:s29], $0x1  }
0xb6: {  	[sflag:s29] =	ssyncadd.s32 $0xFFFFFFFF  }
0xb7: {  	_ =	strace $0x90000048  }
0xb8: {  	_ =	sfence  }
0xb9: {  	s30 =	sld [smem:$0x0];
	_ =	sdelay $0x2  }
0xba: {  	s31 =	sshll.u32 s1, $0xD;
	s1 =	sshrl.u32 s1, $0x2  }
0xbb: {  	s3 =	sand.u32 $0x4000, s31;
	s1 =	sadd.s32 s1, s30  }
0xbc: {  	s0 =	sor.u32 s3, s0;
	s1 =	sshll.u32 s1, $0x11  }
0xbd: {  	s0 =	sor.u32 s1, s0  }
0xbe: {  	s0 =	sadd.s32 $0x8F2B, s0  }
0xbf: {  	[sflag:s0] =	ssyncadd.remote.s32 $0x1  }
0xc0: {  	_ =	sfence.sel $0xFFFF  }
0xc1: {  	[dreg:$0x0] =	wrdreg $0xFFFFFFFF;
	(pc) =	sbr.abs _section_cstart, $3  }
0xc2: {  	[dreg:$0x1] =	wrdreg $0xFFFFFFFF  }
0xc3: {  	_ =	task.clear_ibuf [dreg:s7], $0x2FFFF;
	_ =	strace $0x9FFFFFFF  }
0xc4: {  	(tm) =	ssettm $0x7FFFFFFF  }
0xc5: {  	_ =	shalt  }
tec
execute0_lowered:
.L_overlay_start_1:
0x0: {  	(tag) =	ssettag $0x1  }
0x1: {  	s3 =	rddreg [dreg:$0x0]  }
0x2: {  	s6 =	rddreg [dreg:$0x1]  }
0x3: {  	s1 =	rddreg [dreg:$0x2]  }
0x4: {  	s2 =	rddreg [dreg:$0x3];
	s14 =	stileid.u32  }
0x5: {  	s0 =	srdreg.scid;
	s4 =	simm.s32 $0x0;
	s7 =	smul.u32 $0x2800, s14  }
0x6: {  	s28 =	simm.s32 $0x80;
	s29 =	simm.s32 $0x200;
	s22 =	smul.u32 $0x14000, s14  }
0x7: {  	s30 =	simm.s32 $0x100;
	s31 =	simm.s32 $0x4;
	s13 =	smul.u32 $0x280, s14  }
0x8: {  	s0 =	sand.u32 $0x1, s0;
	[smem:$0x7FF] =	sst s4;
	s24 =	smul.u32 $0x28000, s14  }
0x9: {  	s8 =	sshll.u32 s14, $0x5;
	p0 =	slt.u32 s14, $0x2;
	s26 =	smul.u32 $0xA000, s14  }
0xa: {  	s21 =	sand.u32 $0x1, s14;
	s5 =	smul.u32 $0x28000, s0;
	_ =	strace $0x80000047  }
0xb: {  	s8 =	sadd.s32 s8, s3;
	s9 =	ssub.s32 $0x2, s0;
	s11 =	smul.u32 $0x140000, s0  }
0xc: {  	p1 =	sne.s32 s21, s0;
	s10 =	sshrl.u32 s9, $0x1;
	s15 =	sadd.s32 $0x3E00, s8  }
0xd: {  	s23 =	sshrl.u32 s22, $0x1;
	s16 =	sadd.s32 $0x80, s13;
	s19 =	sadd.s32 $0x100, s13  }
0xe: {  	s5 =	sadd.s32 s7, s5;
	s9 =	ssub.s32 s9, s10;
	s11 =	sadd.s32 s22, s11  }
0xf: {  	[dreg:$0x5] =	wrdreg s15;
	s7 =	sadd.s32 s7, s2;
	s15 =	sshrl.u32 s26, $0x2  }
0x10: {  	s17 =	sshll.u32 s16, $0x6;
	s10 =	sshll.u32 s16, $0x4;
	s20 =	sshll.u32 s19, $0x6  }
0x11: {  	s22 =	sadd.s32 $0x180, s13;
	s5 =	sshrl.u32 s5, $0x3;
	s9 =	smax.u32 s9, $0x1  }
0x12: {  	s11 =	sshrl.u32 s11, $0x4;
	s18 =	sadd.s32 s10, s2;
	[dreg:$0x8] =	wrdreg s9  }
0x13: {  	s10 =	sadd.s32 s20, s1;
	s12 =	sadd.s32 s5, s3;
	[dreg:$0xc] =	wrdreg s18  }
0x14: {  	s5 =	simm.s32 $0x4F;
	s6 =	sadd.s32 s6, s11;
	[dreg:$0xd] =	wrdreg s10  }
0x15: {  	s10 =	simm.s32 $0xDC00;
	s5 =	simm.s32 @!p0 $0x4E;
	p0 =	seq.s32 s0, $0x1  }
0x16: {  	[dreg:$0x6] =	wrdreg s6;
	s6 =	sadd.s32 s23, s1;
	s25 =	sadd.s32 $0x35000, s12  }
0x17: {  	s12 =	sshrl.u32 s24, $0x2;
	s23 =	sshll.u32 s22, $0x6;
	s24 =	sshll.u32 s22, $0x4  }
0x18: {  	s22 =	simm.s32 $0x4A00;
	[dreg:$0x7] =	wrdreg s25;
	s9 =	sadd.s32 s12, s1  }
0x19: {  	s25 =	sadd.s32 $0x200, s13;
	s10 =	simm.s32 @!p0 $0x21600;
	p0 =	sgt.u32 s14, $0x1  }
0x1a: {  	s14 =	sadd.s32 $0x4000, s8;
	s8 =	simm.s32 $0x0;
	[dreg:$0x9] =	wrdreg s9  }
0x1b: {  	s9 =	sadd.s32 s15, s2;
	s18 =	sadd.s32 s10, s3;
	s26 =	sshll.u32 s25, $0x6  }
0x1c: {  	p2 =	sne.s32 @!p0 s21, s0;
	s0 =	simm.s32 $0x2200;
	[dreg:$0xa] =	wrdreg s9  }
0x1d: {  	s9 =	sadd.s32 s17, s1;
	s3 =	sadd.s32 s26, s1;
	p2 =	por p2, p0  }
0x1e: {  	s26 =	simm.s32 $0x6A00;
	[dreg:$0xb] =	wrdreg s9;
	s9 =	sshll.u32 s19, $0x4  }
0x1f: {  	[dreg:$0x11] =	wrdreg s3;
	s3 =	simm.s32 $0x1;
	s9 =	sadd.s32 s9, s2  }
0x20: {  	[dreg:$0xe] =	wrdreg s9;
	s9 =	sadd.s32 s23, s1;
	s23 =	simm.s32 $0x3  }
0x21: {  	[dreg:$0xf] =	wrdreg s9;
	s9 =	sadd.s32 s24, s2;
	s24 =	sshrl.u32 s6, $0x3  }
0x22: {  	v0 =	vimm.f32 $0.0e+00;
	vm0 =	vcmask $0x300;
	s6 =	simm.s32 $0x2;
	[dreg:$0x10] =	wrdreg s9;
	s9 =	sshll.u32 s25, $0x4  }
0x23: {  	v1 =	vimm.bf16 $0.0e+00;
	v2 =	vsel vm0, $0x3F800000, v0;
	s25 =	sshrl.u32 s7, $0x3;
	s7 =	simm.s32 $0x180;
	s20 =	sadd.s32 s9, s2  }
.LBB2_1:
0x24: {  	s9 =	simm.s32 $0x4A20  }
0x25: {  	[tilespmem:s9+$0xFFFFFFE0] =	vst v1  }
0x26: {  	[tilespmem:s9+$0x10] =	vst v1  }
0x27: {  	[tilespmem:s9+$0x0] =	vst v1  }
0x28: {  	s10 =	simm.s32 $0x40;
	s11 =	simm.s32 $0x0;
	[tilespmem:s9+$0xFFFFFFF0] =	vst v1  }
.LBB2_2:
0x29: {  	p3 =	sne.s32 s10, $0x1FC0  }
0x2a: {  	[tilespmem:s11+$0x6A00] =	vst v0;
	s9 =	sadd.s32 $0x40, s9;
	s12 =	smov.u32 s10;
	s10 =	sadd.s32 $0x40, s10  }
.Ltmp0:
0x2b: {  	[tilespmem:s11+$0x4200] =	vst v2;
	(pc) =	sbr.rel @p3 .LBB2_2-.Ltmp0, $4  }
0x2c: {  	[tilespmem:s9+$0xFFFFFFE0] =	vst v1  }
0x2d: {  	[tilespmem:s9+$0x10] =	vst v1  }
0x2e: {  	[tilespmem:s9+$0x0] =	vst v1  }
0x2f: {  	s11 =	sshra.s32 s12, $0x2;
	[tilespmem:s9+$0xFFFFFFF0] =	vst v1  }
0x30: {  	[tilespmem:s11+$0x6A00] =	vst v0  }
0x31: {  	[tilespmem:s11+$0x4200] =	vst v2;
	s9 =	rddreg [dreg:$0x9]  }
0x32: {  	[spmem:s9] =	stream.linear.scatter [tilespmem:s22], [sflag:$0x3], $0x2000, $0x38;
	[tilespmem:$0x13A00] =	vst v63  }
0x33: {  	_ =	swait.ge [sflag:s23], $0x2000  }
0x34: {  	[sflag:s23] =	ssyncset.done $0x0  }
0x35: {  	s10 =	rddreg [dreg:$0xa];
	[sflag:s23] =	ssyncadd.s32 $0xFFFFE000  }
0x36: {  	[spmem:s10] =	stream.linear.scatter [tilespmem:s26], [sflag:$0x3], $0x800, $0x38;
	[tilespmem:$0x13A00] =	vst v63  }
0x37: {  	_ =	swait.ge [sflag:s23], $0x800  }
0x38: {  	[sflag:s23] =	ssyncset.done $0x0  }
0x39: {  	s11 =	rddreg [dreg:$0xb];
	[sflag:s23] =	ssyncadd.s32 $0xFFFFF800  }
0x3a: {  	[spmem:s11] =	stream.linear.scatter [tilespmem:s22], [sflag:$0x3], $0x2000, $0x38;
	[tilespmem:$0x13A00] =	vst v63  }
0x3b: {  	_ =	swait.ge [sflag:s23], $0x2000  }
0x3c: {  	[sflag:s23] =	ssyncset.done $0x0  }
0x3d: {  	s12 =	rddreg [dreg:$0xc];
	[sflag:s23] =	ssyncadd.s32 $0xFFFFE000  }
0x3e: {  	[spmem:s12] =	stream.linear.scatter [tilespmem:s26], [sflag:$0x3], $0x800, $0x38;
	[tilespmem:$0x13A00] =	vst v63  }
0x3f: {  	_ =	swait.ge [sflag:s23], $0x800  }
0x40: {  	[sflag:s23] =	ssyncset.done $0x0  }
0x41: {  	s13 =	rddreg [dreg:$0xd];
	[sflag:s23] =	ssyncadd.s32 $0xFFFFF800  }
0x42: {  	[spmem:s13] =	stream.linear.scatter [tilespmem:s22], [sflag:$0x3], $0x2000, $0x38;
	[tilespmem:$0x13A00] =	vst v63  }
0x43: {  	_ =	swait.ge [sflag:s23], $0x2000  }
0x44: {  	[sflag:s23] =	ssyncset.done $0x0  }
0x45: {  	s15 =	rddreg [dreg:$0xe];
	[sflag:s23] =	ssyncadd.s32 $0xFFFFE000  }
0x46: {  	[spmem:s15] =	stream.linear.scatter [tilespmem:s26], [sflag:$0x3], $0x800, $0x38;
	[tilespmem:$0x13A00] =	vst v63  }
0x47: {  	_ =	swait.ge [sflag:s23], $0x800  }
0x48: {  	[sflag:s23] =	ssyncset.done $0x0  }
0x49: {  	s16 =	rddreg [dreg:$0xf];
	[sflag:s23] =	ssyncadd.s32 $0xFFFFF800  }
0x4a: {  	[spmem:s16] =	stream.linear.scatter [tilespmem:s22], [sflag:$0x3], $0x2000, $0x38;
	[tilespmem:$0x13A00] =	vst v63  }
0x4b: {  	_ =	swait.ge [sflag:s23], $0x2000  }
0x4c: {  	[sflag:s23] =	ssyncset.done $0x0  }
0x4d: {  	s17 =	rddreg [dreg:$0x10];
	[sflag:s23] =	ssyncadd.s32 $0xFFFFE000  }
0x4e: {  	[spmem:s17] =	stream.linear.scatter [tilespmem:s26], [sflag:$0x3], $0x800, $0x38;
	[tilespmem:$0x13A00] =	vst v63  }
0x4f: {  	_ =	swait.ge [sflag:s23], $0x800  }
0x50: {  	[sflag:s23] =	ssyncset.done $0x0  }
0x51: {  	s19 =	rddreg [dreg:$0x11];
	[sflag:s23] =	ssyncadd.s32 $0xFFFFF800  }
0x52: {  	[spmem:s19] =	stream.linear.scatter [tilespmem:s22], [sflag:$0x3], $0x2000, $0x38;
	[tilespmem:$0x13A00] =	vst v63  }
0x53: {  	_ =	swait.ge [sflag:s23], $0x2000  }
0x54: {  	[sflag:s23] =	ssyncset.done $0x0  }
0x55: {  	[sflag:s23] =	ssyncadd.s32 $0xFFFFE000  }
0x56: {  	[spmem:s20] =	stream.linear.scatter [tilespmem:s26], [sflag:$0x3], $0x800, $0x38;
	[tilespmem:$0x13A00] =	vst v63  }
0x57: {  	_ =	swait.ge [sflag:s23], $0x800  }
0x58: {  	[sflag:s23] =	ssyncset.done $0x0  }
0x59: {  	[sflag:s23] =	ssyncadd.s32 $0xFFFFF800  }
0x5a: {  	[bflag:$0x0] =	sbarrier.arrive $0xFFFF  }
0x5b: {  	s21 =	rddreg [dreg:$0x5]  }
0x5c: {  	[tilespmem:s4], [sflag:$0x3] =	stream.linear.gather [hbm4b:s21+s4], $0x100, $0x38;
	[tilespmem:$0x13A00] =	vst v63  }
0x5d: {  	_ =	swait.ge [sflag:s23], $0x100  }
0x5e: {  	[sflag:s23] =	ssyncset.done $0x0  }
0x5f: {  	[sflag:s23] =	ssyncadd.s32 $0xFFFFFF00  }
0x60: {  	[tilespmem:s29], [sflag:$0x1] =	stream.indirect.gather [hbm4b:s18+s28], $0x40, s4, s28, $0xb8;
	[tilespmem:$0x13A00] =	vst v63  }
0x61: {  	_ = 	snop  }
0x62: {  	[tilespmem:s30], [sflag:$0x4] =	stream.linear.gather [hbm4b:s14+s4], $0x100, $0x38;
	[tilespmem:$0x13A00] =	vst v63  }
0x63: {  	_ =	swait.ge [sflag:s31], $0x100  }
0x64: {  	[sflag:s31] =	ssyncset.done $0x0  }
0x65: {  	[sflag:s31] =	ssyncadd.s32 $0xFFFFFF00  }
0x66: {  	[tilespmem:s0], [sflag:$0x2] =	stream.indirect.gather [hbm4b:s18+s28], $0x40, s30, s28, $0xb8;
	[tilespmem:$0x13A00] =	vst v63  }
0x67: {  	s9 =	simm.s32 @!p1 $0x80;
	s10 =	simm.s32 @!p1 $0x4200;
	s11 =	simm.s32 @!p1 $0x4  }
0x68: {  	[spmem:s2] =	stream.indirect.scatter.add.f32 @!p1 [tilespmem:s10], [sflag:$0x4], $0x10, s9, s9, $0xb8;
	[tilespmem:$0x13A00] =	vst v63  }
0x69: {  	_ =	swait.ge @!p1 [sflag:s11], $0x800  }
0x6a: {  	[sflag:s11] =	ssyncset.done @!p1 $0x0  }
0x6b: {  	[sflag:s11] =	ssyncadd.s32 @!p1 $0xFFFFF800  }
0x6c: {  	_ =	swait.ge [sflag:s3], $0x2000  }
0x6d: {  	[sflag:s3] =	ssyncset.done $0x0  }
0x6e: {  	[sflag:s3] =	ssyncadd.s32 $0xFFFFE000  }
0x6f: {  	[spmem:s1] =	stream.indirect.scatter.add.bf16 [tilespmem:s29], [sflag:$0x4], $0x40, s28, s28, $0xb8;
	[tilespmem:$0x13A00] =	vst v63  }
0x70: {  	p3 =	sle.u32 s5, $0x2;
	_ =	swait.ge [sflag:s31], $0x2000  }
0x71: {  	s12 =	sadd.s32 @!p3 $0x200, s14;
	[sflag:s31] =	ssyncset.done $0x0  }
0x72: {  	s13 =	simm.s32 @!p3 $0x0;
	s21 =	simm.s32 @!p3 $0x4;
	[sflag:s31] =	ssyncadd.s32 $0xFFFFE000  }
0x73: {  	[tilespmem:s13], [sflag:$0x4] =	stream.linear.gather @!p3 [hbm4b:s12+s13], $0x100, $0x38;
	[tilespmem:$0x13A00] =	vst v63  }
0x74: {  	_ =	swait.ge @!p3 [sflag:s21], $0x100  }
0x75: {  	[sflag:s21] =	ssyncset.done @!p3 $0x0  }
0x76: {  	s12 =	simm.s32 @!p3 $0x80;
	[sflag:s21] =	ssyncadd.s32 @!p3 $0xFFFFFF00;
	s21 =	simm.s32 @!p3 $0x200  }
0x77: {  	[tilespmem:s21], [sflag:$0x1] =	stream.indirect.gather @!p3 [hbm4b:s18+s12], $0x40, s13, s12, $0xb8;
	[tilespmem:$0x13A00] =	vst v63  }
0x78: {  	s12 =	simm.s32 @!p1 $0x180  }
0x79: {  	[spmem:s2] =	stream.indirect.scatter.add.f32 @!p1 [tilespmem:s10], [sflag:$0x4], $0x10, s12, s9, $0xb8;
	[tilespmem:$0x13A00] =	vst v63  }
0x7a: {  	_ =	swait.ge @!p1 [sflag:s11], $0x800  }
0x7b: {  	[sflag:s11] =	ssyncset.done @!p1 $0x0  }
0x7c: {  	[sflag:s11] =	ssyncadd.s32 @!p1 $0xFFFFF800  }
0x7d: {  	_ =	swait.ge [sflag:s6], $0x2000  }
0x7e: {  	[sflag:s6] =	ssyncset.done $0x0  }
0x7f: {  	[sflag:s6] =	ssyncadd.s32 $0xFFFFE000  }
0x80: {  	[spmem:s1] =	stream.indirect.scatter.add.bf16 [tilespmem:s0], [sflag:$0x3], $0x40, s7, s28, $0xb8;
	[tilespmem:$0x13A00] =	vst v63  }
0x81: {  	s13 =	simm.s32 $0x4;
	s21 =	smov.u32 s14;
	_ =	swait.ge [sflag:s23], $0x2000  }
.LBB2_4:
0x82: {  	[sflag:s23] =	ssyncset.done $0x0  }
0x83: {  	s21 =	sadd.s32 $0x400, s21;
	s15 =	smov.u32 s13;
	s13 =	sadd.s32 $0x2, s13  }
0x84: {  	p3 =	sne.s32 s13, $0x50;
	[sflag:s23] =	ssyncadd.s32 $0xFFFFE000  }
0x85: {  	[tilespmem:s30], [sflag:$0x4] =	stream.linear.gather [hbm4b:s21+s4], $0x100, $0x38;
	[tilespmem:$0x13A00] =	vst v63  }
0x86: {  	_ =	swait.ge [sflag:s31], $0x100  }
0x87: {  	[sflag:s31] =	ssyncset.done $0x0  }
0x88: {  	[sflag:s31] =	ssyncadd.s32 $0xFFFFFF00  }
0x89: {  	[tilespmem:s0], [sflag:$0x2] =	stream.indirect.gather [hbm4b:s18+s28], $0x40, s30, s28, $0xb8;
	[tilespmem:$0x13A00] =	vst v63  }
0x8a: {  	_ = 	snop  }
0x8b: {  	[spmem:s2] =	stream.indirect.scatter.add.f32 @!p1 [tilespmem:s10], [sflag:$0x4], $0x10, s9, s9, $0xb8;
	[tilespmem:$0x13A00] =	vst v63  }
0x8c: {  	_ =	swait.ge @!p1 [sflag:s11], $0x800  }
0x8d: {  	[sflag:s11] =	ssyncset.done @!p1 $0x0  }
0x8e: {  	[sflag:s11] =	ssyncadd.s32 @!p1 $0xFFFFF800  }
0x8f: {  	_ =	swait.ge [sflag:s3], $0x2000  }
0x90: {  	[sflag:s3] =	ssyncset.done $0x0  }
0x91: {  	[sflag:s3] =	ssyncadd.s32 $0xFFFFE000  }
0x92: {  	[spmem:s1] =	stream.indirect.scatter.add.bf16 [tilespmem:s29], [sflag:$0x4], $0x40, s28, s28, $0xb8;
	[tilespmem:$0x13A00] =	vst v63  }
0x93: {  	p4 =	sge.u32 s15, s5;
	_ =	swait.ge [sflag:s31], $0x2000  }
0x94: {  	s15 =	sadd.s32 @!p4 $0x200, s21;
	s16 =	simm.s32 @!p4 $0x0;
	[sflag:s31] =	ssyncset.done $0x0  }
0x95: {  	s17 =	simm.s32 @!p4 $0x4;
	[sflag:s31] =	ssyncadd.s32 $0xFFFFE000  }
0x96: {  	[tilespmem:s16], [sflag:$0x4] =	stream.linear.gather @!p4 [hbm4b:s15+s16], $0x100, $0x38;
	[tilespmem:$0x13A00] =	vst v63  }
0x97: {  	_ =	swait.ge @!p4 [sflag:s17], $0x100  }
0x98: {  	s19 =	simm.s32 @!p4 $0x200;
	s15 =	simm.s32 @!p4 $0x80;
	[sflag:s17] =	ssyncset.done @!p4 $0x0  }
0x99: {  	[sflag:s17] =	ssyncadd.s32 @!p4 $0xFFFFFF00  }
0x9a: {  	[tilespmem:s19], [sflag:$0x1] =	stream.indirect.gather @!p4 [hbm4b:s18+s15], $0x40, s16, s15, $0xb8;
	[tilespmem:$0x13A00] =	vst v63  }
0x9b: {  	_ = 	snop  }
0x9c: {  	[spmem:s2] =	stream.indirect.scatter.add.f32 @!p1 [tilespmem:s10], [sflag:$0x4], $0x10, s12, s9, $0xb8;
	[tilespmem:$0x13A00] =	vst v63  }
0x9d: {  	_ =	swait.ge @!p1 [sflag:s11], $0x800  }
0x9e: {  	[sflag:s11] =	ssyncset.done @!p1 $0x0  }
0x9f: {  	[sflag:s11] =	ssyncadd.s32 @!p1 $0xFFFFF800  }
.Ltmp1:
0xa0: {  	_ =	swait.ge [sflag:s6], $0x2000;
	(pc) =	sbr.rel @p3 .LBB2_4-.Ltmp1, $4  }
0xa1: {  	[sflag:s6] =	ssyncset.done $0x0  }
0xa2: {  	[sflag:s6] =	ssyncadd.s32 $0xFFFFE000  }
0xa3: {  	[spmem:s1] =	stream.indirect.scatter.add.bf16 [tilespmem:s0], [sflag:$0x3], $0x40, s7, s28, $0xb8;
	[tilespmem:$0x13A00] =	vst v63  }
0xa4: {  	_ =	swait.ge [sflag:s23], $0x2000  }
0xa5: {  	[sflag:s23] =	ssyncset.done $0x0  }
0xa6: {  	s9 =	simm.s32 @!p2 $0x80;
	s10 =	simm.s32 @!p2 $0x4200;
	[sflag:s23] =	ssyncadd.s32 $0xFFFFE000  }
0xa7: {  	[spmem:s2] =	stream.indirect.scatter.add.f32 @!p2 [tilespmem:s10], [sflag:$0x4], $0x10, s9, s9, $0xb8;
	[tilespmem:$0x13A00] =	vst v63  }
0xa8: {  	s9 =	simm.s32 @!p2 $0x4  }
0xa9: {  	_ =	swait.ge @!p2 [sflag:s9], $0x800  }
0xaa: {  	[sflag:s9] =	ssyncset.done @!p2 $0x0  }
0xab: {  	[sflag:s9] =	ssyncadd.s32 @!p2 $0xFFFFF800;
	s9 =	simm.s32 @!p0 $0x1  }
0xac: {  	_ =	swait.ge @!p0 [sflag:s9], $0x2000  }
0xad: {  	[sflag:s9] =	ssyncset.done @!p0 $0x0  }
0xae: {  	s10 =	simm.s32 @!p0 $0x200;
	[sflag:s9] =	ssyncadd.s32 @!p0 $0xFFFFE000;
	s9 =	simm.s32 @!p0 $0x80  }
0xaf: {  	[spmem:s1] =	stream.indirect.scatter.add.bf16 @!p0 [tilespmem:s10], [sflag:$0x4], $0x40, s9, s9, $0xb8;
	[tilespmem:$0x13A00] =	vst v63  }
0xb0: {  	s9 =	simm.s32 @!p0 $0x4  }
0xb1: {  	_ =	swait.ge @!p0 [sflag:s9], $0x2000  }
0xb2: {  	[sflag:s9] =	ssyncset.done @!p0 $0x0  }
0xb3: {  	s16 =	stileid.u32;
	[sflag:s9] =	ssyncadd.s32 @!p0 $0xFFFFE000  }
0xb4: {  	s9 =	sshll.u32 s16, $0x6;
	[bflag:$0x0] =	sbarrier.arrive $0xFFFF  }
0xb5: {  	s9 =	sor.u32 $0x1C03, s9;
	s17 =	rddreg [dreg:$0x6]  }
0xb6: {  	[hbm:s17], [sflag:s9] =	dma.local [spmem:s24], $0x1400  }
0xb7: {  	_ =	swait.ge [sflag:s23], $0x1400  }
0xb8: {  	[sflag:s23] =	ssyncset.done $0x0  }
0xb9: {  	s19 =	rddreg [dreg:$0x7];
	[sflag:s23] =	ssyncadd.s32 $0xFFFFEC00  }
0xba: {  	[hbm:s19], [sflag:s9] =	dma.local [spmem:s25], $0x500  }
0xbb: {  	_ =	swait.ge [sflag:s23], $0x500  }
0xbc: {  	s8 =	sadd.s32 $0x1, s8;
	s21 =	rddreg [dreg:$0x8]  }
0xbd: {  	p3 =	sne.s32 s8, s21  }
.Ltmp2:
0xbe: {  	_ = 	snop;
	(pc) =	sbr.rel @p3 .LBB2_1-.Ltmp2, $3  }
0xbf: {  	_ =	sdelay $0x1  }
0xc0: {  	[sflag:s23] =	ssyncset.done $0x0  }
0xc1: {  	[sflag:s23] =	ssyncadd.s32 $0xFFFFFB00  }
0xc2: {  	_ =	sfence.sel $0x180000  }
0xc3: {  	[bflag:$0x0] =	sbarrier.arrive $0xFFFF  }
0xc4: {  	_ =	strace $0x90000047  }
0xc5: {  	s0 =	stileid.u32;
	[bflag:$0x2] =	sbarrier.arrive $0xFFFF  }
0xc6: {  	p0 =	sne.s32 s0, $0x0;
	s0 =	rddreg [dreg:$0x4]  }
0xc7: {  	s0 =	sadd.s32 @!p0 $0x100000, s0  }
0xc8: {  	[sflag:s0] =	ssyncadd.tile.s32 @!p0 $0x1;
	_ =	shalt  }
.Lfunc_end2:
_tile_overlayer_lowered:
.L_overlay_start_2:
0xc9: {  	(tag) =	ssettag $0x2  }
0xca: {  	s0 =	rddreg [dreg:$0x0];
	s2 =	stileid.u32  }
0xcb: {  	s1 =	rddreg [dreg:$0x1];
	p0 =	sne.s32 s2, $0x0  }
0xcc: {  	s3 =	rddreg [dreg:$0x2];
	[bflag:$0x3] =	sbarrier.arrive $0xFFFF;
	s2 =	simm.s32 @!p0 $0x1C03  }
0xcd: {  	[timem:s3], [sflag:s2] =	dma.local @!p0 [hbm:s0], s1  }
0xce: {  	s0 =	simm.s32 @!p0 $0x3  }
0xcf: {  	_ =	swait.ge @!p0 [sflag:s0], s1  }
0xd0: {  	s1 =	ssub.s32 @!p0 $0x0, s1;
	[sflag:s0] =	ssyncset.done @!p0 $0x0  }
0xd1: {  	[sflag:s0] =	ssyncadd.s32 @!p0 s1  }
0xd2: {  	[bflag:$0x3] =	sbarrier.arrive $0xFFFF  }
0xd3: {  	_ =	shalt  }

</sc_bundles>
